<compile_context>
chip_gen: v7x
topology: tpu7x:2x2x1
jax: 0.10.2.dev20260603
libtpu: 0.0.44.dev20260713+nightly
codegen_flags: <defaults>
</compile_context>

<pallas_src>
import functools

import jax
import jax.numpy as jnp
from jax import lax
from jax.experimental import pallas as pl
from jax.experimental.pallas import tpu as pltpu
from jax.experimental.pallas import tpu_sc as plsc

D = 128
V = 27
P = 33
B = 16384
N = B * P
EPS = 1e-5

NC, NS, L = 2, 16, 16
NW = NC * NS
COLS_W = B // NW
CHUNK = 128
GROUP = 2
GROUP_ROWS = GROUP * CHUNK
GPP = COLS_W // GROUP_ROWS
NG = P * GPP
NBUF = 3
VECS = CHUNK // L


def _ln_table_body(aa_ref, pos_ref, g_ref, b_ref, out_ref):
    h = aa_ref[...][:, None, :] + pos_ref[...][None, :, :]
    m = jnp.mean(h, axis=-1, keepdims=True)
    c = h - m
    var = jnp.mean(c * c, axis=-1, keepdims=True)
    out_ref[...] = c * lax.rsqrt(var + EPS) * g_ref[...] + b_ref[...]


def _build_table(aa, pos, gamma, beta):
    out = pl.pallas_call(
        _ln_table_body,
        out_shape=jax.ShapeDtypeStruct((V, P, D), jnp.float32),
    )(aa, pos, gamma.reshape(1, 1, D), beta.reshape(1, 1, D))
    return out.reshape(V * P, D)


_SC_MESH = plsc.VectorSubcoreMesh(core_axis_name="c", subcore_axis_name="s")


@functools.partial(
    pl.kernel,
    out_type=jax.ShapeDtypeStruct((N, D), jnp.float32),
    mesh=_SC_MESH,
    scratch_types=[
        pltpu.VMEM((P, COLS_W), jnp.int32),
        pltpu.VMEM((NBUF, GROUP, CHUNK), jnp.int32),
        pltpu.VMEM((GROUP_ROWS, D), jnp.float32),
        pltpu.VMEM((GROUP_ROWS, D), jnp.float32),
        pltpu.VMEM((GROUP_ROWS, D), jnp.float32),
        pltpu.VMEM_SHARED((V * P, D), jnp.float32),
        pltpu.SemaphoreType.DMA,
        pltpu.SemaphoreType.DMA,
    ],
)
def _sc_gather(x_hbm, table_hbm, out_hbm, x_v, idx_v, buf0, buf1, buf2,
               table_sp, sem_g, sem_s):
    wid = lax.axis_index("s") * NC + lax.axis_index("c")
    col0 = wid * COLS_W

    @pl.when(lax.axis_index("s") == 0)
    def _stage_table():
        pltpu.sync_copy(table_hbm, table_sp)

    pltpu.sync_copy(x_hbm.at[:, pl.ds(col0, COLS_W)], x_v)
    plsc.subcore_barrier()

    bufs = (buf0, buf1, buf2)

    def out_slice(g):
        start = (g // GPP) * B + col0 + (g % GPP) * GROUP_ROWS
        return out_hbm.at[pl.ds(start, GROUP_ROWS)]

    def body(g, _):
        par = g % NBUF
        for b in range(NBUF):
            @pl.when(par == b)
            def _issue():
                @pl.when(g < NG)
                def _fire():
                    @pl.when(g >= NBUF)
                    def _free_buf():
                        pltpu.make_async_copy(bufs[b], out_slice(0), sem_s).wait()
                    p = g // GPP
                    cbase = (g % GPP) * GROUP_ROWS
                    for k in range(GROUP):
                        for o in range(VECS):
                            sl = pl.ds(cbase + k * CHUNK + o * L, L)
                            idx_v[b, k, pl.ds(o * L, L)] = x_v[p, sl] * P + p
                    for k in range(GROUP):
                        pltpu.async_copy(
                            table_sp.at[idx_v.at[b, k]],
                            bufs[b].at[pl.ds(k * CHUNK, CHUNK)], sem_g)
            prev = (b - 1) % NBUF
            @pl.when(jnp.logical_and(par == b, g >= 1))
            def _complete():
                pltpu.make_async_copy(out_slice(0), bufs[prev], sem_g).wait()
                pltpu.async_copy(bufs[prev], out_slice(g - 1), sem_s)
        return 0

    lax.fori_loop(0, NG + 1, body, 0)
    for b in range(NBUF):
        pltpu.make_async_copy(bufs[b], out_slice(0), sem_s).wait()


def kernel(x, aa_table, pos_table, gamma, beta):
    table = _build_table(aa_table, pos_table, gamma, beta)
    out = _sc_gather(x.astype(jnp.int32).T, table)
    return out.reshape(P, B, D).transpose(1, 0, 2)

# --- scband reference (transcript-rebuilt; emitter-appended) ---
"""Pipeline reference for scband-adaptive-embedding-83047487635938 (READ-ONLY COPY).

The authoritative reference and input builder live on the scoring server;
editing this copy changes nothing except your own understanding.
"""

import jax, jax.numpy as jnp
import numpy as np

EMBED_DIM = 128
VOCAB = 27
PEPTIDE = 33
BATCH = 16384
EPS = 1e-5


def setup_inputs(seed: int = 0) -> dict:
    key = jax.random.key(seed)
    k1, k2, k3 = jax.random.split(key, 3)
    x = jax.random.randint(k1, (BATCH, PEPTIDE), 0, VOCAB, dtype=jnp.int64) if jax.config.jax_enable_x64 else jax.random.randint(k1, (BATCH, PEPTIDE), 0, VOCAB, dtype=jnp.int32)
    aa_table = jax.random.normal(k2, (VOCAB, EMBED_DIM), dtype=jnp.float32)
    pos_table = jax.random.normal(k3, (PEPTIDE, EMBED_DIM), dtype=jnp.float32)
    gamma = jnp.ones((EMBED_DIM,), dtype=jnp.float32)
    beta = jnp.zeros((EMBED_DIM,), dtype=jnp.float32)
    return {"x": x, "aa_table": aa_table, "pos_table": pos_table, "gamma": gamma, "beta": beta}


def _layer_norm(h, gamma, beta):
    mean = jnp.mean(h, axis=-1, keepdims=True)
    var = jnp.mean(jnp.square(h - mean), axis=-1, keepdims=True)
    return (h - mean) / jnp.sqrt(var + EPS) * gamma + beta


def reference(x, aa_table, pos_table, gamma, beta):
    # positionIndex = arange(33) expanded to x's shape [B, 33]
    position_index = jnp.broadcast_to(jnp.arange(PEPTIDE, dtype=x.dtype)[None, :], x.shape)
    # embedding lookups (gather)
    emb = jnp.take(aa_table, x, axis=0) + jnp.take(pos_table, position_index, axis=0)
    # LayerNorm over embedding dim
    return _layer_norm(emb, gamma, beta)

if __name__ == "__main__":
    import jax
    _d = setup_inputs()
    print(jax.jit(kernel)(*tuple(_d.values())))

</pallas_src>

<mosaic_0001>
#map = affine_map<(d0, d1) -> (0, 0)>
module attributes {stable_mosaic.version = 14 : i64} {
  func.func @_sc_gather(%arg0: i32, %arg1: i32, %arg2: memref<33x16384xi32, #tpu.memory_space<hbm>>, %arg3: memref<891x128xf32, #tpu.memory_space<hbm>>, %arg4: memref<540672x128xf32, #tpu.memory_space<hbm>>, %arg5: memref<33x512xi32, #tpu.memory_space<vmem>>, %arg6: memref<3x2x128xi32, #tpu.memory_space<vmem>>, %arg7: memref<256x128xf32, #tpu.memory_space<vmem>>, %arg8: memref<256x128xf32, #tpu.memory_space<vmem>>, %arg9: memref<256x128xf32, #tpu.memory_space<vmem>>, %arg10: memref<891x128xf32, #tpu.memory_space<vmem_shared>>, %arg11: memref<!tpu.dma_semaphore, #tpu.memory_space<semaphore_mem>>, %arg12: memref<!tpu.dma_semaphore, #tpu.memory_space<semaphore_mem>>) attributes {dimension_semantics = [#tpu.dimension_semantics<core_parallel>, #tpu.dimension_semantics<subcore_parallel>], iteration_bounds = array<i64: 2, 16>, scalar_prefetch = 0 : i64, scratch_operands = 8 : i64, tpu.core_type = #tpu.core_type<sc_vector_subcore>, window_params = [{transform_indices = #map}, {transform_indices = #map}, {transform_indices = #map}]} {
    %mul3A = arith.constant 2 : i32
    %mul3A_0 = arith.muli %arg1, %mul3A : i32
    %add3A = arith.addi %mul3A_0, %arg0 : i32
    %mul3A_1 = arith.constant 512 : i32
    %mul3A_2 = arith.muli %add3A, %mul3A_1 : i32
    %eq3A = arith.constant 0 : i32
    %eq3A_3 = arith.cmpi eq, %arg1, %eq3A : i32
    %convert_element_type3A = arith.extui %eq3A_3 : i1 to i32
    %cond3A = arith.constant 0 : i32
    %cond3A_4 = arith.cmpi ne, %convert_element_type3A, %cond3A : i32
    scf.if %cond3A_4 {
      "tpu.region"() ({
        %run_scoped3A = tpu.sem_alloc : memref<!tpu.dma_semaphore, #tpu.memory_space<semaphore_mem>>
        tpu.enqueue_dma source(%arg3 : memref<891x128xf32, #tpu.memory_space<hbm>>) target(%arg10 : memref<891x128xf32, #tpu.memory_space<vmem_shared>>) target_semaphore(%run_scoped3A : memref<!tpu.dma_semaphore, #tpu.memory_space<semaphore_mem>>)
        tpu.wait_dma2 semaphore(%run_scoped3A : memref<!tpu.dma_semaphore, #tpu.memory_space<semaphore_mem>>) src(%arg3 : memref<891x128xf32, #tpu.memory_space<hbm>>) dst(%arg10 : memref<891x128xf32, #tpu.memory_space<vmem_shared>>)
        tpu.yield
      }) : () -> ()
    } else {
    }
    "tpu.region"() ({
      %run_scoped3A = tpu.sem_alloc : memref<!tpu.dma_semaphore, #tpu.memory_space<semaphore_mem>>
      %dma_start3A = arith.constant 0 : i32
      %dma_start3A_34 = tpu.memref_slice %arg2[%dma_start3A, %mul3A_2] : memref<33x16384xi32, #tpu.memory_space<hbm>> -> memref<33x512xi32, #tpu.memory_space<hbm>>
      %dma_start3A_35 = arith.constant 0 : i32
      %dma_start3A_36 = tpu.memref_slice %arg2[%dma_start3A_35, %mul3A_2] : memref<33x16384xi32, #tpu.memory_space<hbm>> -> memref<33x512xi32, #tpu.memory_space<hbm>>
      tpu.enqueue_dma source(%dma_start3A_36 : memref<33x512xi32, #tpu.memory_space<hbm>>) target(%arg5 : memref<33x512xi32, #tpu.memory_space<vmem>>) target_semaphore(%run_scoped3A : memref<!tpu.dma_semaphore, #tpu.memory_space<semaphore_mem>>)
      %dma_wait3A_37 = arith.constant 0 : i32
      %dma_wait3A_38 = tpu.memref_slice %arg2[%dma_wait3A_37, %mul3A_2] : memref<33x16384xi32, #tpu.memory_space<hbm>> -> memref<33x512xi32, #tpu.memory_space<hbm>>
      %dma_wait3A_39 = arith.constant 0 : i32
      %dma_wait3A_40 = tpu.memref_slice %arg2[%dma_wait3A_39, %mul3A_2] : memref<33x16384xi32, #tpu.memory_space<hbm>> -> memref<33x512xi32, #tpu.memory_space<hbm>>
      tpu.wait_dma2 semaphore(%run_scoped3A : memref<!tpu.dma_semaphore, #tpu.memory_space<semaphore_mem>>) src(%dma_wait3A_40 : memref<33x512xi32, #tpu.memory_space<hbm>>) dst(%arg5 : memref<33x512xi32, #tpu.memory_space<vmem>>)
      tpu.yield
    }) : () -> ()
    %barrier3A = arith.constant 0 : index
    tpu.barrier barrier_id(%barrier3A)
    %scan3A = arith.constant 0 : i32
    %scan3A_5 = arith.constant 0 : i32
    %scan3A_6 = arith.constant 67 : i32
    %scan3A_7 = arith.addi %scan3A_5, %scan3A_6 : i32
    %scan3A_8 = arith.constant 1 : i32
    %scan3A_9 = scf.for %scan3A_34 = %scan3A_5 to %scan3A_7 step %scan3A_8 iter_args(%scan3A_35 = %scan3A) -> (i32)  : i32 {
      %jit3A = arith.constant 3 : i32
      %eq3A_36 = arith.constant 0 : i32
      %eq3A_37 = arith.cmpi eq, %jit3A, %eq3A_36 : i32
      %jit3A_38 = arith.constant 1 : i32
      %select_n3A = arith.select %eq3A_37, %jit3A_38, %jit3A : i32
      %rem3A = arith.remsi %scan3A_34, %select_n3A : i32
      %ne3A = arith.constant 0 : i32
      %ne3A_39 = arith.cmpi ne, %rem3A, %ne3A : i32
      %lt3A = arith.constant 0 : i32
      %lt3A_40 = arith.cmpi slt, %rem3A, %lt3A : i32
      %lt3A_41 = arith.constant 0 : i32
      %lt3A_42 = arith.cmpi slt, %select_n3A, %lt3A_41 : i32
      %ne3A_43 = arith.xori %lt3A_40, %lt3A_42 : i1
      %and3A = arith.andi %ne3A_43, %ne3A_39 : i1
      %add3A_44 = arith.addi %rem3A, %select_n3A : i32
      %select_n3A_45 = arith.select %and3A, %add3A_44, %rem3A : i32
      %eq3A_46 = arith.constant 0 : i32
      %eq3A_47 = arith.cmpi eq, %select_n3A_45, %eq3A_46 : i32
      %convert_element_type3A_48 = arith.extui %eq3A_47 : i1 to i32
      %cond3A_49 = arith.constant 0 : i32
      %cond3A_50 = arith.cmpi ne, %convert_element_type3A_48, %cond3A_49 : i32
      scf.if %cond3A_50 {
        %lt3A_85 = arith.constant 66 : i32
        %lt3A_86 = arith.cmpi slt, %scan3A_34, %lt3A_85 : i32
        %convert_element_type3A_87 = arith.extui %lt3A_86 : i1 to i32
        %cond3A_88 = arith.constant 0 : i32
        %cond3A_89 = arith.cmpi ne, %convert_element_type3A_87, %cond3A_88 : i32
        scf.if %cond3A_89 {
          %ge3A_90 = arith.constant 3 : i32
          %ge3A_91 = arith.cmpi sge, %scan3A_34, %ge3A_90 : i32
          %convert_element_type3A_92 = arith.extui %ge3A_91 : i1 to i32
          %cond3A_93 = arith.constant 0 : i32
          %cond3A_94 = arith.cmpi ne, %convert_element_type3A_92, %cond3A_93 : i32
          scf.if %cond3A_94 {
            %add3A_489 = arith.constant 0 : i32
            %add3A_490 = arith.addi %add3A_489, %mul3A_2 : i32
            %add3A_491 = arith.constant 0 : i32
            %add3A_492 = arith.addi %add3A_490, %add3A_491 : i32
            %dma_wait3A_493 = arith.constant 0 : i32
            %dma_wait3A_494 = tpu.memref_slice %arg4[%add3A_492, %dma_wait3A_493] : memref<540672x128xf32, #tpu.memory_space<hbm>> -> memref<256x128xf32, #tpu.memory_space<hbm>>
            %dma_wait3A_495 = arith.constant 0 : i32
            %dma_wait3A_496 = tpu.memref_slice %arg4[%add3A_492, %dma_wait3A_495] : memref<540672x128xf32, #tpu.memory_space<hbm>> -> memref<256x128xf32, #tpu.memory_space<hbm>>
            tpu.wait_dma2 semaphore(%arg12 : memref<!tpu.dma_semaphore, #tpu.memory_space<semaphore_mem>>) src(%arg7 : memref<256x128xf32, #tpu.memory_space<vmem>>) dst(%dma_wait3A_496 : memref<256x128xf32, #tpu.memory_space<hbm>>)
          } else {
          }
          %jit3A_95 = arith.constant 2 : i32
          %div3A = arith.divsi %scan3A_34, %jit3A_95 : i32
          %sign3A = arith.constant 0 : i32
          %sign3A_96 = arith.cmpi sgt, %scan3A_34, %sign3A : i32
          %sign3A_97 = arith.extui %sign3A_96 : i1 to i32
          %sign3A_98 = arith.constant 0 : i32
          %sign3A_99 = arith.cmpi slt, %scan3A_34, %sign3A_98 : i32
          %sign3A_100 = arith.extui %sign3A_99 : i1 to i32
          %sign3A_101 = arith.subi %sign3A_97, %sign3A_100 : i32
          %sign3A_102 = arith.constant 0 : i32
          %sign3A_103 = arith.cmpi sgt, %jit3A_95, %sign3A_102 : i32
          %sign3A_104 = arith.extui %sign3A_103 : i1 to i32
          %sign3A_105 = arith.constant 0 : i32
          %sign3A_106 = arith.cmpi slt, %jit3A_95, %sign3A_105 : i32
          %sign3A_107 = arith.extui %sign3A_106 : i1 to i32
          %sign3A_108 = arith.subi %sign3A_104, %sign3A_107 : i32
          %ne3A_109 = arith.cmpi ne, %sign3A_101, %sign3A_108 : i32
          %rem3A_110 = arith.remsi %scan3A_34, %jit3A_95 : i32
          %ne3A_111 = arith.constant 0 : i32
          %ne3A_112 = arith.cmpi ne, %rem3A_110, %ne3A_111 : i32
          %and3A_113 = arith.andi %ne3A_109, %ne3A_112 : i1
          %sub3A = arith.constant 1 : i32
          %sub3A_114 = arith.subi %div3A, %sub3A : i32
          %select_n3A_115 = arith.select %and3A_113, %sub3A_114, %div3A : i32
          %jit3A_116 = arith.constant 2 : i32
          %eq3A_117 = arith.constant 0 : i32
          %eq3A_118 = arith.cmpi eq, %jit3A_116, %eq3A_117 : i32
          %jit3A_119 = arith.constant 1 : i32
          %select_n3A_120 = arith.select %eq3A_118, %jit3A_119, %jit3A_116 : i32
          %rem3A_121 = arith.remsi %scan3A_34, %select_n3A_120 : i32
          %ne3A_122 = arith.constant 0 : i32
          %ne3A_123 = arith.cmpi ne, %rem3A_121, %ne3A_122 : i32
          %lt3A_124 = arith.constant 0 : i32
          %lt3A_125 = arith.cmpi slt, %rem3A_121, %lt3A_124 : i32
          %lt3A_126 = arith.constant 0 : i32
          %lt3A_127 = arith.cmpi slt, %select_n3A_120, %lt3A_126 : i32
          %ne3A_128 = arith.xori %lt3A_125, %lt3A_127 : i1
          %and3A_129 = arith.andi %ne3A_128, %ne3A_123 : i1
          %add3A_130 = arith.addi %rem3A_121, %select_n3A_120 : i32
          %select_n3A_131 = arith.select %and3A_129, %add3A_130, %rem3A_121 : i32
          %mul3A_132 = arith.constant 256 : i32
          %mul3A_133 = arith.muli %select_n3A_131, %mul3A_132 : i32
          %add3A_134 = arith.constant 0 : i32
          %add3A_135 = arith.addi %mul3A_133, %add3A_134 : i32
          %add3A_136 = arith.constant 0 : i32
          %add3A_137 = arith.addi %add3A_135, %add3A_136 : i32
          %get3A = arith.index_cast %select_n3A_115 : i32 to index
          %get3A_138 = arith.index_cast %add3A_137 : i32 to index
          %get3A_139 = tpu.vector_load %arg5[%get3A, %get3A_138] {strides = array<i32>} : memref<33x512xi32, #tpu.memory_space<vmem>>, vector<1x16xi32>,
          %get3A_140 = vector.shape_cast %get3A_139 : vector<1x16xi32> to vector<16xi32>
          %mul3A_141 = arith.constant 33 : i32
          %mul3A_142 = vector.broadcast %mul3A_141 : i32 to vector<16xi32>
          %mul3A_143 = arith.muli %get3A_140, %mul3A_142 : vector<16xi32>
          %add3A_144 = vector.broadcast %select_n3A_115 : i32 to vector<16xi32>
          %add3A_145 = arith.addi %mul3A_143, %add3A_144 : vector<16xi32>
          %swap3A = arith.constant 0 : i32
          %swap3A_146 = arith.constant 0 : i32
          %swap3A_147 = arith.index_cast %swap3A : i32 to index
          %swap3A_148 = arith.index_cast %swap3A_146 : i32 to index
          %swap3A_149 = arith.constant 0 : index
          %swap3A_150 = tpu.vector_load %arg6[%swap3A_147, %swap3A_148, %swap3A_149] {strides = array<i32>} : memref<3x2x128xi32, #tpu.memory_space<vmem>>, vector<1x1x16xi32>,
          %swap3A_151 = vector.shape_cast %swap3A_150 : vector<1x1x16xi32> to vector<16xi32>
          %swap3A_152 = vector.shape_cast %add3A_145 : vector<16xi32> to vector<1x1x16xi32>
          tpu.vector_store %arg6[%swap3A_147, %swap3A_148, %swap3A_149], %swap3A_152 {strides = array<i32>} : memref<3x2x128xi32, #tpu.memory_space<vmem>>, vector<1x1x16xi32>,
          %add3A_153 = arith.constant 0 : i32
          %add3A_154 = arith.addi %mul3A_133, %add3A_153 : i32
          %add3A_155 = arith.constant 16 : i32
          %add3A_156 = arith.addi %add3A_154, %add3A_155 : i32
          %get3A_157 = arith.index_cast %select_n3A_115 : i32 to index
          %get3A_158 = arith.index_cast %add3A_156 : i32 to index
          %get3A_159 = tpu.vector_load %arg5[%get3A_157, %get3A_158] {strides = array<i32>} : memref<33x512xi32, #tpu.memory_space<vmem>>, vector<1x16xi32>,
          %get3A_160 = vector.shape_cast %get3A_159 : vector<1x16xi32> to vector<16xi32>
          %mul3A_161 = arith.constant 33 : i32
          %mul3A_162 = vector.broadcast %mul3A_161 : i32 to vector<16xi32>
          %mul3A_163 = arith.muli %get3A_160, %mul3A_162 : vector<16xi32>
          %add3A_164 = vector.broadcast %select_n3A_115 : i32 to vector<16xi32>
          %add3A_165 = arith.addi %mul3A_163, %add3A_164 : vector<16xi32>
          %swap3A_166 = arith.constant 0 : i32
          %swap3A_167 = arith.constant 0 : i32
          %swap3A_168 = arith.index_cast %swap3A_166 : i32 to index
          %swap3A_169 = arith.index_cast %swap3A_167 : i32 to index
          %swap3A_170 = arith.constant 16 : index
          %swap3A_171 = tpu.vector_load %arg6[%swap3A_168, %swap3A_169, %swap3A_170] {strides = array<i32>} : memref<3x2x128xi32, #tpu.memory_space<vmem>>, vector<1x1x16xi32>,
          %swap3A_172 = vector.shape_cast %swap3A_171 : vector<1x1x16xi32> to vector<16xi32>
          %swap3A_173 = vector.shape_cast %add3A_165 : vector<16xi32> to vector<1x1x16xi32>
          tpu.vector_store %arg6[%swap3A_168, %swap3A_169, %swap3A_170], %swap3A_173 {strides = array<i32>} : memref<3x2x128xi32, #tpu.memory_space<vmem>>, vector<1x1x16xi32>,
          %add3A_174 = arith.constant 0 : i32
          %add3A_175 = arith.addi %mul3A_133, %add3A_174 : i32
          %add3A_176 = arith.constant 32 : i32
          %add3A_177 = arith.addi %add3A_175, %add3A_176 : i32
          %get3A_178 = arith.index_cast %select_n3A_115 : i32 to index
          %get3A_179 = arith.index_cast %add3A_177 : i32 to index
          %get3A_180 = tpu.vector_load %arg5[%get3A_178, %get3A_179] {strides = array<i32>} : memref<33x512xi32, #tpu.memory_space<vmem>>, vector<1x16xi32>,
          %get3A_181 = vector.shape_cast %get3A_180 : vector<1x16xi32> to vector<16xi32>
          %mul3A_182 = arith.constant 33 : i32
          %mul3A_183 = vector.broadcast %mul3A_182 : i32 to vector<16xi32>
          %mul3A_184 = arith.muli %get3A_181, %mul3A_183 : vector<16xi32>
          %add3A_185 = vector.broadcast %select_n3A_115 : i32 to vector<16xi32>
          %add3A_186 = arith.addi %mul3A_184, %add3A_185 : vector<16xi32>
          %swap3A_187 = arith.constant 0 : i32
          %swap3A_188 = arith.constant 0 : i32
          %swap3A_189 = arith.index_cast %swap3A_187 : i32 to index
          %swap3A_190 = arith.index_cast %swap3A_188 : i32 to index
          %swap3A_191 = arith.constant 32 : index
          %swap3A_192 = tpu.vector_load %arg6[%swap3A_189, %swap3A_190, %swap3A_191] {strides = array<i32>} : memref<3x2x128xi32, #tpu.memory_space<vmem>>, vector<1x1x16xi32>,
          %swap3A_193 = vector.shape_cast %swap3A_192 : vector<1x1x16xi32> to vector<16xi32>
          %swap3A_194 = vector.shape_cast %add3A_186 : vector<16xi32> to vector<1x1x16xi32>
          tpu.vector_store %arg6[%swap3A_189, %swap3A_190, %swap3A_191], %swap3A_194 {strides = array<i32>} : memref<3x2x128xi32, #tpu.memory_space<vmem>>, vector<1x1x16xi32>,
          %add3A_195 = arith.constant 0 : i32
          %add3A_196 = arith.addi %mul3A_133, %add3A_195 : i32
          %add3A_197 = arith.constant 48 : i32
          %add3A_198 = arith.addi %add3A_196, %add3A_197 : i32
          %get3A_199 = arith.index_cast %select_n3A_115 : i32 to index
          %get3A_200 = arith.index_cast %add3A_198 : i32 to index
          %get3A_201 = tpu.vector_load %arg5[%get3A_199, %get3A_200] {strides = array<i32>} : memref<33x512xi32, #tpu.memory_space<vmem>>, vector<1x16xi32>,
          %get3A_202 = vector.shape_cast %get3A_201 : vector<1x16xi32> to vector<16xi32>
          %mul3A_203 = arith.constant 33 : i32
          %mul3A_204 = vector.broadcast %mul3A_203 : i32 to vector<16xi32>
          %mul3A_205 = arith.muli %get3A_202, %mul3A_204 : vector<16xi32>
          %add3A_206 = vector.broadcast %select_n3A_115 : i32 to vector<16xi32>
          %add3A_207 = arith.addi %mul3A_205, %add3A_206 : vector<16xi32>
          %swap3A_208 = arith.constant 0 : i32
          %swap3A_209 = arith.constant 0 : i32
          %swap3A_210 = arith.index_cast %swap3A_208 : i32 to index
          %swap3A_211 = arith.index_cast %swap3A_209 : i32 to index
          %swap3A_212 = arith.constant 48 : index
          %swap3A_213 = tpu.vector_load %arg6[%swap3A_210, %swap3A_211, %swap3A_212] {strides = array<i32>} : memref<3x2x128xi32, #tpu.memory_space<vmem>>, vector<1x1x16xi32>,
          %swap3A_214 = vector.shape_cast %swap3A_213 : vector<1x1x16xi32> to vector<16xi32>
          %swap3A_215 = vector.shape_cast %add3A_207 : vector<16xi32> to vector<1x1x16xi32>
          tpu.vector_store %arg6[%swap3A_210, %swap3A_211, %swap3A_212], %swap3A_215 {strides = array<i32>} : memref<3x2x128xi32, #tpu.memory_space<vmem>>, vector<1x1x16xi32>,
          %add3A_216 = arith.constant 0 : i32
          %add3A_217 = arith.addi %mul3A_133, %add3A_216 : i32
          %add3A_218 = arith.constant 64 : i32
          %add3A_219 = arith.addi %add3A_217, %add3A_218 : i32
          %get3A_220 = arith.index_cast %select_n3A_115 : i32 to index
          %get3A_221 = arith.index_cast %add3A_219 : i32 to index
          %get3A_222 = tpu.vector_load %arg5[%get3A_220, %get3A_221] {strides = array<i32>} : memref<33x512xi32, #tpu.memory_space<vmem>>, vector<1x16xi32>,
          %get3A_223 = vector.shape_cast %get3A_222 : vector<1x16xi32> to vector<16xi32>
          %mul3A_224 = arith.constant 33 : i32
          %mul3A_225 = vector.broadcast %mul3A_224 : i32 to vector<16xi32>
          %mul3A_226 = arith.muli %get3A_223, %mul3A_225 : vector<16xi32>
          %add3A_227 = vector.broadcast %select_n3A_115 : i32 to vector<16xi32>
          %add3A_228 = arith.addi %mul3A_226, %add3A_227 : vector<16xi32>
          %swap3A_229 = arith.constant 0 : i32
          %swap3A_230 = arith.constant 0 : i32
          %swap3A_231 = arith.index_cast %swap3A_229 : i32 to index
          %swap3A_232 = arith.index_cast %swap3A_230 : i32 to index
          %swap3A_233 = arith.constant 64 : index
          %swap3A_234 = tpu.vector_load %arg6[%swap3A_231, %swap3A_232, %swap3A_233] {strides = array<i32>} : memref<3x2x128xi32, #tpu.memory_space<vmem>>, vector<1x1x16xi32>,
          %swap3A_235 = vector.shape_cast %swap3A_234 : vector<1x1x16xi32> to vector<16xi32>
          %swap3A_236 = vector.shape_cast %add3A_228 : vector<16xi32> to vector<1x1x16xi32>
          tpu.vector_store %arg6[%swap3A_231, %swap3A_232, %swap3A_233], %swap3A_236 {strides = array<i32>} : memref<3x2x128xi32, #tpu.memory_space<vmem>>, vector<1x1x16xi32>,
          %add3A_237 = arith.constant 0 : i32
          %add3A_238 = arith.addi %mul3A_133, %add3A_237 : i32
          %add3A_239 = arith.constant 80 : i32
          %add3A_240 = arith.addi %add3A_238, %add3A_239 : i32
          %get3A_241 = arith.index_cast %select_n3A_115 : i32 to index
          %get3A_242 = arith.index_cast %add3A_240 : i32 to index
          %get3A_243 = tpu.vector_load %arg5[%get3A_241, %get3A_242] {strides = array<i32>} : memref<33x512xi32, #tpu.memory_space<vmem>>, vector<1x16xi32>,
          %get3A_244 = vector.shape_cast %get3A_243 : vector<1x16xi32> to vector<16xi32>
          %mul3A_245 = arith.constant 33 : i32
          %mul3A_246 = vector.broadcast %mul3A_245 : i32 to vector<16xi32>
          %mul3A_247 = arith.muli %get3A_244, %mul3A_246 : vector<16xi32>
          %add3A_248 = vector.broadcast %select_n3A_115 : i32 to vector<16xi32>
          %add3A_249 = arith.addi %mul3A_247, %add3A_248 : vector<16xi32>
          %swap3A_250 = arith.constant 0 : i32
          %swap3A_251 = arith.constant 0 : i32
          %swap3A_252 = arith.index_cast %swap3A_250 : i32 to index
          %swap3A_253 = arith.index_cast %swap3A_251 : i32 to index
          %swap3A_254 = arith.constant 80 : index
          %swap3A_255 = tpu.vector_load %arg6[%swap3A_252, %swap3A_253, %swap3A_254] {strides = array<i32>} : memref<3x2x128xi32, #tpu.memory_space<vmem>>, vector<1x1x16xi32>,
          %swap3A_256 = vector.shape_cast %swap3A_255 : vector<1x1x16xi32> to vector<16xi32>
          %swap3A_257 = vector.shape_cast %add3A_249 : vector<16xi32> to vector<1x1x16xi32>
          tpu.vector_store %arg6[%swap3A_252, %swap3A_253, %swap3A_254], %swap3A_257 {strides = array<i32>} : memref<3x2x128xi32, #tpu.memory_space<vmem>>, vector<1x1x16xi32>,
          %add3A_258 = arith.constant 0 : i32
          %add3A_259 = arith.addi %mul3A_133, %add3A_258 : i32
          %add3A_260 = arith.constant 96 : i32
          %add3A_261 = arith.addi %add3A_259, %add3A_260 : i32
          %get3A_262 = arith.index_cast %select_n3A_115 : i32 to index
          %get3A_263 = arith.index_cast %add3A_261 : i32 to index
          %get3A_264 = tpu.vector_load %arg5[%get3A_262, %get3A_263] {strides = array<i32>} : memref<33x512xi32, #tpu.memory_space<vmem>>, vector<1x16xi32>,
          %get3A_265 = vector.shape_cast %get3A_264 : vector<1x16xi32> to vector<16xi32>
          %mul3A_266 = arith.constant 33 : i32
          %mul3A_267 = vector.broadcast %mul3A_266 : i32 to vector<16xi32>
          %mul3A_268 = arith.muli %get3A_265, %mul3A_267 : vector<16xi32>
          %add3A_269 = vector.broadcast %select_n3A_115 : i32 to vector<16xi32>
          %add3A_270 = arith.addi %mul3A_268, %add3A_269 : vector<16xi32>
          %swap3A_271 = arith.constant 0 : i32
          %swap3A_272 = arith.constant 0 : i32
          %swap3A_273 = arith.index_cast %swap3A_271 : i32 to index
          %swap3A_274 = arith.index_cast %swap3A_272 : i32 to index
          %swap3A_275 = arith.constant 96 : index
          %swap3A_276 = tpu.vector_load %arg6[%swap3A_273, %swap3A_274, %swap3A_275] {strides = array<i32>} : memref<3x2x128xi32, #tpu.memory_space<vmem>>, vector<1x1x16xi32>,
          %swap3A_277 = vector.shape_cast %swap3A_276 : vector<1x1x16xi32> to vector<16xi32>
          %swap3A_278 = vector.shape_cast %add3A_270 : vector<16xi32> to vector<1x1x16xi32>
          tpu.vector_store %arg6[%swap3A_273, %swap3A_274, %swap3A_275], %swap3A_278 {strides = array<i32>} : memref<3x2x128xi32, #tpu.memory_space<vmem>>, vector<1x1x16xi32>,
          %add3A_279 = arith.constant 0 : i32
          %add3A_280 = arith.addi %mul3A_133, %add3A_279 : i32
          %add3A_281 = arith.constant 112 : i32
          %add3A_282 = arith.addi %add3A_280, %add3A_281 : i32
          %get3A_283 = arith.index_cast %select_n3A_115 : i32 to index
          %get3A_284 = arith.index_cast %add3A_282 : i32 to index
          %get3A_285 = tpu.vector_load %arg5[%get3A_283, %get3A_284] {strides = array<i32>} : memref<33x512xi32, #tpu.memory_space<vmem>>, vector<1x16xi32>,
          %get3A_286 = vector.shape_cast %get3A_285 : vector<1x16xi32> to vector<16xi32>
          %mul3A_287 = arith.constant 33 : i32
          %mul3A_288 = vector.broadcast %mul3A_287 : i32 to vector<16xi32>
          %mul3A_289 = arith.muli %get3A_286, %mul3A_288 : vector<16xi32>
          %add3A_290 = vector.broadcast %select_n3A_115 : i32 to vector<16xi32>
          %add3A_291 = arith.addi %mul3A_289, %add3A_290 : vector<16xi32>
          %swap3A_292 = arith.constant 0 : i32
          %swap3A_293 = arith.constant 0 : i32
          %swap3A_294 = arith.index_cast %swap3A_292 : i32 to index
          %swap3A_295 = arith.index_cast %swap3A_293 : i32 to index
          %swap3A_296 = arith.constant 112 : index
          %swap3A_297 = tpu.vector_load %arg6[%swap3A_294, %swap3A_295, %swap3A_296] {strides = array<i32>} : memref<3x2x128xi32, #tpu.memory_space<vmem>>, vector<1x1x16xi32>,
          %swap3A_298 = vector.shape_cast %swap3A_297 : vector<1x1x16xi32> to vector<16xi32>
          %swap3A_299 = vector.shape_cast %add3A_291 : vector<16xi32> to vector<1x1x16xi32>
          tpu.vector_store %arg6[%swap3A_294, %swap3A_295, %swap3A_296], %swap3A_299 {strides = array<i32>} : memref<3x2x128xi32, #tpu.memory_space<vmem>>, vector<1x1x16xi32>,
          %add3A_300 = arith.constant 128 : i32
          %add3A_301 = arith.addi %mul3A_133, %add3A_300 : i32
          %add3A_302 = arith.constant 0 : i32
          %add3A_303 = arith.addi %add3A_301, %add3A_302 : i32
          %get3A_304 = arith.index_cast %select_n3A_115 : i32 to index
          %get3A_305 = arith.index_cast %add3A_303 : i32 to index
          %get3A_306 = tpu.vector_load %arg5[%get3A_304, %get3A_305] {strides = array<i32>} : memref<33x512xi32, #tpu.memory_space<vmem>>, vector<1x16xi32>,
          %get3A_307 = vector.shape_cast %get3A_306 : vector<1x16xi32> to vector<16xi32>
          %mul3A_308 = arith.constant 33 : i32
          %mul3A_309 = vector.broadcast %mul3A_308 : i32 to vector<16xi32>
          %mul3A_310 = arith.muli %get3A_307, %mul3A_309 : vector<16xi32>
          %add3A_311 = vector.broadcast %select_n3A_115 : i32 to vector<16xi32>
          %add3A_312 = arith.addi %mul3A_310, %add3A_311 : vector<16xi32>
          %swap3A_313 = arith.constant 0 : i32
          %swap3A_314 = arith.constant 1 : i32
          %swap3A_315 = arith.index_cast %swap3A_313 : i32 to index
          %swap3A_316 = arith.index_cast %swap3A_314 : i32 to index
          %swap3A_317 = arith.constant 0 : index
          %swap3A_318 = tpu.vector_load %arg6[%swap3A_315, %swap3A_316, %swap3A_317] {strides = array<i32>} : memref<3x2x128xi32, #tpu.memory_space<vmem>>, vector<1x1x16xi32>,
          %swap3A_319 = vector.shape_cast %swap3A_318 : vector<1x1x16xi32> to vector<16xi32>
          %swap3A_320 = vector.shape_cast %add3A_312 : vector<16xi32> to vector<1x1x16xi32>
          tpu.vector_store %arg6[%swap3A_315, %swap3A_316, %swap3A_317], %swap3A_320 {strides = array<i32>} : memref<3x2x128xi32, #tpu.memory_space<vmem>>, vector<1x1x16xi32>,
          %add3A_321 = arith.constant 128 : i32
          %add3A_322 = arith.addi %mul3A_133, %add3A_321 : i32
          %add3A_323 = arith.constant 16 : i32
          %add3A_324 = arith.addi %add3A_322, %add3A_323 : i32
          %get3A_325 = arith.index_cast %select_n3A_115 : i32 to index
          %get3A_326 = arith.index_cast %add3A_324 : i32 to index
          %get3A_327 = tpu.vector_load %arg5[%get3A_325, %get3A_326] {strides = array<i32>} : memref<33x512xi32, #tpu.memory_space<vmem>>, vector<1x16xi32>,
          %get3A_328 = vector.shape_cast %get3A_327 : vector<1x16xi32> to vector<16xi32>
          %mul3A_329 = arith.constant 33 : i32
          %mul3A_330 = vector.broadcast %mul3A_329 : i32 to vector<16xi32>
          %mul3A_331 = arith.muli %get3A_328, %mul3A_330 : vector<16xi32>
          %add3A_332 = vector.broadcast %select_n3A_115 : i32 to vector<16xi32>
          %add3A_333 = arith.addi %mul3A_331, %add3A_332 : vector<16xi32>
          %swap3A_334 = arith.constant 0 : i32
          %swap3A_335 = arith.constant 1 : i32
          %swap3A_336 = arith.index_cast %swap3A_334 : i32 to index
          %swap3A_337 = arith.index_cast %swap3A_335 : i32 to index
          %swap3A_338 = arith.constant 16 : index
          %swap3A_339 = tpu.vector_load %arg6[%swap3A_336, %swap3A_337, %swap3A_338] {strides = array<i32>} : memref<3x2x128xi32, #tpu.memory_space<vmem>>, vector<1x1x16xi32>,
          %swap3A_340 = vector.shape_cast %swap3A_339 : vector<1x1x16xi32> to vector<16xi32>
          %swap3A_341 = vector.shape_cast %add3A_333 : vector<16xi32> to vector<1x1x16xi32>
          tpu.vector_store %arg6[%swap3A_336, %swap3A_337, %swap3A_338], %swap3A_341 {strides = array<i32>} : memref<3x2x128xi32, #tpu.memory_space<vmem>>, vector<1x1x16xi32>,
          %add3A_342 = arith.constant 128 : i32
          %add3A_343 = arith.addi %mul3A_133, %add3A_342 : i32
          %add3A_344 = arith.constant 32 : i32
          %add3A_345 = arith.addi %add3A_343, %add3A_344 : i32
          %get3A_346 = arith.index_cast %select_n3A_115 : i32 to index
          %get3A_347 = arith.index_cast %add3A_345 : i32 to index
          %get3A_348 = tpu.vector_load %arg5[%get3A_346, %get3A_347] {strides = array<i32>} : memref<33x512xi32, #tpu.memory_space<vmem>>, vector<1x16xi32>,
          %get3A_349 = vector.shape_cast %get3A_348 : vector<1x16xi32> to vector<16xi32>
          %mul3A_350 = arith.constant 33 : i32
          %mul3A_351 = vector.broadcast %mul3A_350 : i32 to vector<16xi32>
          %mul3A_352 = arith.muli %get3A_349, %mul3A_351 : vector<16xi32>
          %add3A_353 = vector.broadcast %select_n3A_115 : i32 to vector<16xi32>
          %add3A_354 = arith.addi %mul3A_352, %add3A_353 : vector<16xi32>
          %swap3A_355 = arith.constant 0 : i32
          %swap3A_356 = arith.constant 1 : i32
          %swap3A_357 = arith.index_cast %swap3A_355 : i32 to index
          %swap3A_358 = arith.index_cast %swap3A_356 : i32 to index
          %swap3A_359 = arith.constant 32 : index
          %swap3A_360 = tpu.vector_load %arg6[%swap3A_357, %swap3A_358, %swap3A_359] {strides = array<i32>} : memref<3x2x128xi32, #tpu.memory_space<vmem>>, vector<1x1x16xi32>,
          %swap3A_361 = vector.shape_cast %swap3A_360 : vector<1x1x16xi32> to vector<16xi32>
          %swap3A_362 = vector.shape_cast %add3A_354 : vector<16xi32> to vector<1x1x16xi32>
          tpu.vector_store %arg6[%swap3A_357, %swap3A_358, %swap3A_359], %swap3A_362 {strides = array<i32>} : memref<3x2x128xi32, #tpu.memory_space<vmem>>, vector<1x1x16xi32>,
          %add3A_363 = arith.constant 128 : i32
          %add3A_364 = arith.addi %mul3A_133, %add3A_363 : i32
          %add3A_365 = arith.constant 48 : i32
          %add3A_366 = arith.addi %add3A_364, %add3A_365 : i32
          %get3A_367 = arith.index_cast %select_n3A_115 : i32 to index
          %get3A_368 = arith.index_cast %add3A_366 : i32 to index
          %get3A_369 = tpu.vector_load %arg5[%get3A_367, %get3A_368] {strides = array<i32>} : memref<33x512xi32, #tpu.memory_space<vmem>>, vector<1x16xi32>,
          %get3A_370 = vector.shape_cast %get3A_369 : vector<1x16xi32> to vector<16xi32>
          %mul3A_371 = arith.constant 33 : i32
          %mul3A_372 = vector.broadcast %mul3A_371 : i32 to vector<16xi32>
          %mul3A_373 = arith.muli %get3A_370, %mul3A_372 : vector<16xi32>
          %add3A_374 = vector.broadcast %select_n3A_115 : i32 to vector<16xi32>
          %add3A_375 = arith.addi %mul3A_373, %add3A_374 : vector<16xi32>
          %swap3A_376 = arith.constant 0 : i32
          %swap3A_377 = arith.constant 1 : i32
          %swap3A_378 = arith.index_cast %swap3A_376 : i32 to index
          %swap3A_379 = arith.index_cast %swap3A_377 : i32 to index
          %swap3A_380 = arith.constant 48 : index
          %swap3A_381 = tpu.vector_load %arg6[%swap3A_378, %swap3A_379, %swap3A_380] {strides = array<i32>} : memref<3x2x128xi32, #tpu.memory_space<vmem>>, vector<1x1x16xi32>,
          %swap3A_382 = vector.shape_cast %swap3A_381 : vector<1x1x16xi32> to vector<16xi32>
          %swap3A_383 = vector.shape_cast %add3A_375 : vector<16xi32> to vector<1x1x16xi32>
          tpu.vector_store %arg6[%swap3A_378, %swap3A_379, %swap3A_380], %swap3A_383 {strides = array<i32>} : memref<3x2x128xi32, #tpu.memory_space<vmem>>, vector<1x1x16xi32>,
          %add3A_384 = arith.constant 128 : i32
          %add3A_385 = arith.addi %mul3A_133, %add3A_384 : i32
          %add3A_386 = arith.constant 64 : i32
          %add3A_387 = arith.addi %add3A_385, %add3A_386 : i32
          %get3A_388 = arith.index_cast %select_n3A_115 : i32 to index
          %get3A_389 = arith.index_cast %add3A_387 : i32 to index
          %get3A_390 = tpu.vector_load %arg5[%get3A_388, %get3A_389] {strides = array<i32>} : memref<33x512xi32, #tpu.memory_space<vmem>>, vector<1x16xi32>,
          %get3A_391 = vector.shape_cast %get3A_390 : vector<1x16xi32> to vector<16xi32>
          %mul3A_392 = arith.constant 33 : i32
          %mul3A_393 = vector.broadcast %mul3A_392 : i32 to vector<16xi32>
          %mul3A_394 = arith.muli %get3A_391, %mul3A_393 : vector<16xi32>
          %add3A_395 = vector.broadcast %select_n3A_115 : i32 to vector<16xi32>
          %add3A_396 = arith.addi %mul3A_394, %add3A_395 : vector<16xi32>
          %swap3A_397 = arith.constant 0 : i32
          %swap3A_398 = arith.constant 1 : i32
          %swap3A_399 = arith.index_cast %swap3A_397 : i32 to index
          %swap3A_400 = arith.index_cast %swap3A_398 : i32 to index
          %swap3A_401 = arith.constant 64 : index
          %swap3A_402 = tpu.vector_load %arg6[%swap3A_399, %swap3A_400, %swap3A_401] {strides = array<i32>} : memref<3x2x128xi32, #tpu.memory_space<vmem>>, vector<1x1x16xi32>,
          %swap3A_403 = vector.shape_cast %swap3A_402 : vector<1x1x16xi32> to vector<16xi32>
          %swap3A_404 = vector.shape_cast %add3A_396 : vector<16xi32> to vector<1x1x16xi32>
          tpu.vector_store %arg6[%swap3A_399, %swap3A_400, %swap3A_401], %swap3A_404 {strides = array<i32>} : memref<3x2x128xi32, #tpu.memory_space<vmem>>, vector<1x1x16xi32>,
          %add3A_405 = arith.constant 128 : i32
          %add3A_406 = arith.addi %mul3A_133, %add3A_405 : i32
          %add3A_407 = arith.constant 80 : i32
          %add3A_408 = arith.addi %add3A_406, %add3A_407 : i32
          %get3A_409 = arith.index_cast %select_n3A_115 : i32 to index
          %get3A_410 = arith.index_cast %add3A_408 : i32 to index
          %get3A_411 = tpu.vector_load %arg5[%get3A_409, %get3A_410] {strides = array<i32>} : memref<33x512xi32, #tpu.memory_space<vmem>>, vector<1x16xi32>,
          %get3A_412 = vector.shape_cast %get3A_411 : vector<1x16xi32> to vector<16xi32>
          %mul3A_413 = arith.constant 33 : i32
          %mul3A_414 = vector.broadcast %mul3A_413 : i32 to vector<16xi32>
          %mul3A_415 = arith.muli %get3A_412, %mul3A_414 : vector<16xi32>
          %add3A_416 = vector.broadcast %select_n3A_115 : i32 to vector<16xi32>
          %add3A_417 = arith.addi %mul3A_415, %add3A_416 : vector<16xi32>
          %swap3A_418 = arith.constant 0 : i32
          %swap3A_419 = arith.constant 1 : i32
          %swap3A_420 = arith.index_cast %swap3A_418 : i32 to index
          %swap3A_421 = arith.index_cast %swap3A_419 : i32 to index
          %swap3A_422 = arith.constant 80 : index
          %swap3A_423 = tpu.vector_load %arg6[%swap3A_420, %swap3A_421, %swap3A_422] {strides = array<i32>} : memref<3x2x128xi32, #tpu.memory_space<vmem>>, vector<1x1x16xi32>,
          %swap3A_424 = vector.shape_cast %swap3A_423 : vector<1x1x16xi32> to vector<16xi32>
          %swap3A_425 = vector.shape_cast %add3A_417 : vector<16xi32> to vector<1x1x16xi32>
          tpu.vector_store %arg6[%swap3A_420, %swap3A_421, %swap3A_422], %swap3A_425 {strides = array<i32>} : memref<3x2x128xi32, #tpu.memory_space<vmem>>, vector<1x1x16xi32>,
          %add3A_426 = arith.constant 128 : i32
          %add3A_427 = arith.addi %mul3A_133, %add3A_426 : i32
          %add3A_428 = arith.constant 96 : i32
          %add3A_429 = arith.addi %add3A_427, %add3A_428 : i32
          %get3A_430 = arith.index_cast %select_n3A_115 : i32 to index
          %get3A_431 = arith.index_cast %add3A_429 : i32 to index
          %get3A_432 = tpu.vector_load %arg5[%get3A_430, %get3A_431] {strides = array<i32>} : memref<33x512xi32, #tpu.memory_space<vmem>>, vector<1x16xi32>,
          %get3A_433 = vector.shape_cast %get3A_432 : vector<1x16xi32> to vector<16xi32>
          %mul3A_434 = arith.constant 33 : i32
          %mul3A_435 = vector.broadcast %mul3A_434 : i32 to vector<16xi32>
          %mul3A_436 = arith.muli %get3A_433, %mul3A_435 : vector<16xi32>
          %add3A_437 = vector.broadcast %select_n3A_115 : i32 to vector<16xi32>
          %add3A_438 = arith.addi %mul3A_436, %add3A_437 : vector<16xi32>
          %swap3A_439 = arith.constant 0 : i32
          %swap3A_440 = arith.constant 1 : i32
          %swap3A_441 = arith.index_cast %swap3A_439 : i32 to index
          %swap3A_442 = arith.index_cast %swap3A_440 : i32 to index
          %swap3A_443 = arith.constant 96 : index
          %swap3A_444 = tpu.vector_load %arg6[%swap3A_441, %swap3A_442, %swap3A_443] {strides = array<i32>} : memref<3x2x128xi32, #tpu.memory_space<vmem>>, vector<1x1x16xi32>,
          %swap3A_445 = vector.shape_cast %swap3A_444 : vector<1x1x16xi32> to vector<16xi32>
          %swap3A_446 = vector.shape_cast %add3A_438 : vector<16xi32> to vector<1x1x16xi32>
          tpu.vector_store %arg6[%swap3A_441, %swap3A_442, %swap3A_443], %swap3A_446 {strides = array<i32>} : memref<3x2x128xi32, #tpu.memory_space<vmem>>, vector<1x1x16xi32>,
          %add3A_447 = arith.constant 128 : i32
          %add3A_448 = arith.addi %mul3A_133, %add3A_447 : i32
          %add3A_449 = arith.constant 112 : i32
          %add3A_450 = arith.addi %add3A_448, %add3A_449 : i32
          %get3A_451 = arith.index_cast %select_n3A_115 : i32 to index
          %get3A_452 = arith.index_cast %add3A_450 : i32 to index
          %get3A_453 = tpu.vector_load %arg5[%get3A_451, %get3A_452] {strides = array<i32>} : memref<33x512xi32, #tpu.memory_space<vmem>>, vector<1x16xi32>,
          %get3A_454 = vector.shape_cast %get3A_453 : vector<1x16xi32> to vector<16xi32>
          %mul3A_455 = arith.constant 33 : i32
          %mul3A_456 = vector.broadcast %mul3A_455 : i32 to vector<16xi32>
          %mul3A_457 = arith.muli %get3A_454, %mul3A_456 : vector<16xi32>
          %add3A_458 = vector.broadcast %select_n3A_115 : i32 to vector<16xi32>
          %add3A_459 = arith.addi %mul3A_457, %add3A_458 : vector<16xi32>
          %swap3A_460 = arith.constant 0 : i32
          %swap3A_461 = arith.constant 1 : i32
          %swap3A_462 = arith.index_cast %swap3A_460 : i32 to index
          %swap3A_463 = arith.index_cast %swap3A_461 : i32 to index
          %swap3A_464 = arith.constant 112 : index
          %swap3A_465 = tpu.vector_load %arg6[%swap3A_462, %swap3A_463, %swap3A_464] {strides = array<i32>} : memref<3x2x128xi32, #tpu.memory_space<vmem>>, vector<1x1x16xi32>,
          %swap3A_466 = vector.shape_cast %swap3A_465 : vector<1x1x16xi32> to vector<16xi32>
          %swap3A_467 = vector.shape_cast %add3A_459 : vector<16xi32> to vector<1x1x16xi32>
          tpu.vector_store %arg6[%swap3A_462, %swap3A_463, %swap3A_464], %swap3A_467 {strides = array<i32>} : memref<3x2x128xi32, #tpu.memory_space<vmem>>, vector<1x1x16xi32>,
          %dma_start3A = arith.constant 0 : i32
          %dma_start3A_468 = arith.constant 0 : i32
          %dma_start3A_469 = arith.constant 0 : i32
          %dma_start3A_470 = arith.constant 0 : i32
          %dma_start3A_471 = tpu.memref_slice %arg7[%dma_start3A_469, %dma_start3A_470] : memref<256x128xf32, #tpu.memory_space<vmem>> -> memref<128x128xf32, #tpu.memory_space<vmem>>
          %dma_start3A_472 = arith.constant 0 : i32
          %dma_start3A_473 = tpu.memref_slice %arg6[%dma_start3A, %dma_start3A_468, %dma_start3A_472] : memref<3x2x128xi32, #tpu.memory_space<vmem>> -> memref<1x1x128xi32, #tpu.memory_space<vmem>>
          %dma_start3A_474 = tpu.memref_squeeze %dma_start3A_473 : memref<1x1x128xi32, #tpu.memory_space<vmem>> -> memref<128xi32, #tpu.memory_space<vmem>>
          %dma_start3A_475 = arith.constant 0 : i32
          %dma_start3A_476 = arith.constant 0 : i32
          %dma_start3A_477 = tpu.memref_slice %arg10[%dma_start3A_475, %dma_start3A_476] : memref<891x128xf32, #tpu.memory_space<vmem_shared>> -> memref<891x128xf32, #tpu.memory_space<vmem_shared>>
          tpu.enqueue_indirect_dma source(%dma_start3A_477 : memref<891x128xf32, #tpu.memory_space<vmem_shared>>) target(%dma_start3A_471 : memref<128x128xf32, #tpu.memory_space<vmem>>) offsets(%dma_start3A_474 : memref<128xi32, #tpu.memory_space<vmem>>) semaphore(%arg11 : memref<!tpu.dma_semaphore, #tpu.memory_space<semaphore_mem>>)
          %dma_start3A_478 = arith.constant 0 : i32
          %dma_start3A_479 = arith.constant 1 : i32
          %dma_start3A_480 = arith.constant 128 : i32
          %dma_start3A_481 = arith.constant 0 : i32
          %dma_start3A_482 = tpu.memref_slice %arg7[%dma_start3A_480, %dma_start3A_481] : memref<256x128xf32, #tpu.memory_space<vmem>> -> memref<128x128xf32, #tpu.memory_space<vmem>>
          %dma_start3A_483 = arith.constant 0 : i32
          %dma_start3A_484 = tpu.memref_slice %arg6[%dma_start3A_478, %dma_start3A_479, %dma_start3A_483] : memref<3x2x128xi32, #tpu.memory_space<vmem>> -> memref<1x1x128xi32, #tpu.memory_space<vmem>>
          %dma_start3A_485 = tpu.memref_squeeze %dma_start3A_484 : memref<1x1x128xi32, #tpu.memory_space<vmem>> -> memref<128xi32, #tpu.memory_space<vmem>>
          %dma_start3A_486 = arith.constant 0 : i32
          %dma_start3A_487 = arith.constant 0 : i32
          %dma_start3A_488 = tpu.memref_slice %arg10[%dma_start3A_486, %dma_start3A_487] : memref<891x128xf32, #tpu.memory_space<vmem_shared>> -> memref<891x128xf32, #tpu.memory_space<vmem_shared>>
          tpu.enqueue_indirect_dma source(%dma_start3A_488 : memref<891x128xf32, #tpu.memory_space<vmem_shared>>) target(%dma_start3A_482 : memref<128x128xf32, #tpu.memory_space<vmem>>) offsets(%dma_start3A_485 : memref<128xi32, #tpu.memory_space<vmem>>) semaphore(%arg11 : memref<!tpu.dma_semaphore, #tpu.memory_space<semaphore_mem>>)
        } else {
        }
      } else {
      }
      %eq3A_51 = arith.constant 0 : i32
      %eq3A_52 = arith.cmpi eq, %select_n3A_45, %eq3A_51 : i32
      %ge3A = arith.constant 1 : i32
      %ge3A_53 = arith.cmpi sge, %scan3A_34, %ge3A : i32
      %and3A_54 = arith.andi %eq3A_52, %ge3A_53 : i1
      %convert_element_type3A_55 = arith.extui %and3A_54 : i1 to i32
      %cond3A_56 = arith.constant 0 : i32
      %cond3A_57 = arith.cmpi ne, %convert_element_type3A_55, %cond3A_56 : i32
      scf.if %cond3A_57 {
        %add3A_85 = arith.constant 0 : i32
        %add3A_86 = arith.addi %add3A_85, %mul3A_2 : i32
        %add3A_87 = arith.constant 0 : i32
        %add3A_88 = arith.addi %add3A_86, %add3A_87 : i32
        %dma_wait3A_89 = arith.constant 0 : i32
        %dma_wait3A_90 = tpu.memref_slice %arg4[%add3A_88, %dma_wait3A_89] : memref<540672x128xf32, #tpu.memory_space<hbm>> -> memref<256x128xf32, #tpu.memory_space<hbm>>
        %dma_wait3A_91 = arith.constant 0 : i32
        %dma_wait3A_92 = tpu.memref_slice %arg4[%add3A_88, %dma_wait3A_91] : memref<540672x128xf32, #tpu.memory_space<hbm>> -> memref<256x128xf32, #tpu.memory_space<hbm>>
        tpu.wait_dma2 semaphore(%arg11 : memref<!tpu.dma_semaphore, #tpu.memory_space<semaphore_mem>>) src(%dma_wait3A_92 : memref<256x128xf32, #tpu.memory_space<hbm>>) dst(%arg9 : memref<256x128xf32, #tpu.memory_space<vmem>>)
        %sub3A = arith.constant 1 : i32
        %sub3A_93 = arith.subi %scan3A_34, %sub3A : i32
        %jit3A_94 = arith.constant 2 : i32
        %div3A = arith.divsi %sub3A_93, %jit3A_94 : i32
        %sign3A = arith.constant 0 : i32
        %sign3A_95 = arith.cmpi sgt, %sub3A_93, %sign3A : i32
        %sign3A_96 = arith.extui %sign3A_95 : i1 to i32
        %sign3A_97 = arith.constant 0 : i32
        %sign3A_98 = arith.cmpi slt, %sub3A_93, %sign3A_97 : i32
        %sign3A_99 = arith.extui %sign3A_98 : i1 to i32
        %sign3A_100 = arith.subi %sign3A_96, %sign3A_99 : i32
        %sign3A_101 = arith.constant 0 : i32
        %sign3A_102 = arith.cmpi sgt, %jit3A_94, %sign3A_101 : i32
        %sign3A_103 = arith.extui %sign3A_102 : i1 to i32
        %sign3A_104 = arith.constant 0 : i32
        %sign3A_105 = arith.cmpi slt, %jit3A_94, %sign3A_104 : i32
        %sign3A_106 = arith.extui %sign3A_105 : i1 to i32
        %sign3A_107 = arith.subi %sign3A_103, %sign3A_106 : i32
        %ne3A_108 = arith.cmpi ne, %sign3A_100, %sign3A_107 : i32
        %rem3A_109 = arith.remsi %sub3A_93, %jit3A_94 : i32
        %ne3A_110 = arith.constant 0 : i32
        %ne3A_111 = arith.cmpi ne, %rem3A_109, %ne3A_110 : i32
        %and3A_112 = arith.andi %ne3A_108, %ne3A_111 : i1
        %sub3A_113 = arith.constant 1 : i32
        %sub3A_114 = arith.subi %div3A, %sub3A_113 : i32
        %select_n3A_115 = arith.select %and3A_112, %sub3A_114, %div3A : i32
        %mul3A_116 = arith.constant 16384 : i32
        %mul3A_117 = arith.muli %select_n3A_115, %mul3A_116 : i32
        %add3A_118 = arith.addi %mul3A_117, %mul3A_2 : i32
        %jit3A_119 = arith.constant 2 : i32
        %eq3A_120 = arith.constant 0 : i32
        %eq3A_121 = arith.cmpi eq, %jit3A_119, %eq3A_120 : i32
        %jit3A_122 = arith.constant 1 : i32
        %select_n3A_123 = arith.select %eq3A_121, %jit3A_122, %jit3A_119 : i32
        %rem3A_124 = arith.remsi %sub3A_93, %select_n3A_123 : i32
        %ne3A_125 = arith.constant 0 : i32
        %ne3A_126 = arith.cmpi ne, %rem3A_124, %ne3A_125 : i32
        %lt3A_127 = arith.constant 0 : i32
        %lt3A_128 = arith.cmpi slt, %rem3A_124, %lt3A_127 : i32
        %lt3A_129 = arith.constant 0 : i32
        %lt3A_130 = arith.cmpi slt, %select_n3A_123, %lt3A_129 : i32
        %ne3A_131 = arith.xori %lt3A_128, %lt3A_130 : i1
        %and3A_132 = arith.andi %ne3A_131, %ne3A_126 : i1
        %add3A_133 = arith.addi %rem3A_124, %select_n3A_123 : i32
        %select_n3A_134 = arith.select %and3A_132, %add3A_133, %rem3A_124 : i32
        %mul3A_135 = arith.constant 256 : i32
        %mul3A_136 = arith.muli %select_n3A_134, %mul3A_135 : i32
        %add3A_137 = arith.addi %add3A_118, %mul3A_136 : i32
        %dma_start3A = arith.constant 0 : i32
        %dma_start3A_138 = tpu.memref_slice %arg4[%add3A_137, %dma_start3A] : memref<540672x128xf32, #tpu.memory_space<hbm>> -> memref<256x128xf32, #tpu.memory_space<hbm>>
        %dma_start3A_139 = arith.constant 0 : i32
        %dma_start3A_140 = tpu.memref_slice %arg4[%add3A_137, %dma_start3A_139] : memref<540672x128xf32, #tpu.memory_space<hbm>> -> memref<256x128xf32, #tpu.memory_space<hbm>>
        tpu.enqueue_dma source(%arg9 : memref<256x128xf32, #tpu.memory_space<vmem>>) target(%dma_start3A_140 : memref<256x128xf32, #tpu.memory_space<hbm>>) target_semaphore(%arg12 : memref<!tpu.dma_semaphore, #tpu.memory_space<semaphore_mem>>)
      } else {
      }
      %eq3A_58 = arith.constant 1 : i32
      %eq3A_59 = arith.cmpi eq, %select_n3A_45, %eq3A_58 : i32
      %convert_element_type3A_60 = arith.extui %eq3A_59 : i1 to i32
      %cond3A_61 = arith.constant 0 : i32
      %cond3A_62 = arith.cmpi ne, %convert_element_type3A_60, %cond3A_61 : i32
      scf.if %cond3A_62 {
        %lt3A_85 = arith.constant 66 : i32
        %lt3A_86 = arith.cmpi slt, %scan3A_34, %lt3A_85 : i32
        %convert_element_type3A_87 = arith.extui %lt3A_86 : i1 to i32
        %cond3A_88 = arith.constant 0 : i32
        %cond3A_89 = arith.cmpi ne, %convert_element_type3A_87, %cond3A_88 : i32
        scf.if %cond3A_89 {
          %ge3A_90 = arith.constant 3 : i32
          %ge3A_91 = arith.cmpi sge, %scan3A_34, %ge3A_90 : i32
          %convert_element_type3A_92 = arith.extui %ge3A_91 : i1 to i32
          %cond3A_93 = arith.constant 0 : i32
          %cond3A_94 = arith.cmpi ne, %convert_element_type3A_92, %cond3A_93 : i32
          scf.if %cond3A_94 {
            %add3A_489 = arith.constant 0 : i32
            %add3A_490 = arith.addi %add3A_489, %mul3A_2 : i32
            %add3A_491 = arith.constant 0 : i32
            %add3A_492 = arith.addi %add3A_490, %add3A_491 : i32
            %dma_wait3A_493 = arith.constant 0 : i32
            %dma_wait3A_494 = tpu.memref_slice %arg4[%add3A_492, %dma_wait3A_493] : memref<540672x128xf32, #tpu.memory_space<hbm>> -> memref<256x128xf32, #tpu.memory_space<hbm>>
            %dma_wait3A_495 = arith.constant 0 : i32
            %dma_wait3A_496 = tpu.memref_slice %arg4[%add3A_492, %dma_wait3A_495] : memref<540672x128xf32, #tpu.memory_space<hbm>> -> memref<256x128xf32, #tpu.memory_space<hbm>>
            tpu.wait_dma2 semaphore(%arg12 : memref<!tpu.dma_semaphore, #tpu.memory_space<semaphore_mem>>) src(%arg8 : memref<256x128xf32, #tpu.memory_space<vmem>>) dst(%dma_wait3A_496 : memref<256x128xf32, #tpu.memory_space<hbm>>)
          } else {
          }
          %jit3A_95 = arith.constant 2 : i32
          %div3A = arith.divsi %scan3A_34, %jit3A_95 : i32
          %sign3A = arith.constant 0 : i32
          %sign3A_96 = arith.cmpi sgt, %scan3A_34, %sign3A : i32
          %sign3A_97 = arith.extui %sign3A_96 : i1 to i32
          %sign3A_98 = arith.constant 0 : i32
          %sign3A_99 = arith.cmpi slt, %scan3A_34, %sign3A_98 : i32
          %sign3A_100 = arith.extui %sign3A_99 : i1 to i32
          %sign3A_101 = arith.subi %sign3A_97, %sign3A_100 : i32
          %sign3A_102 = arith.constant 0 : i32
          %sign3A_103 = arith.cmpi sgt, %jit3A_95, %sign3A_102 : i32
          %sign3A_104 = arith.extui %sign3A_103 : i1 to i32
          %sign3A_105 = arith.constant 0 : i32
          %sign3A_106 = arith.cmpi slt, %jit3A_95, %sign3A_105 : i32
          %sign3A_107 = arith.extui %sign3A_106 : i1 to i32
          %sign3A_108 = arith.subi %sign3A_104, %sign3A_107 : i32
          %ne3A_109 = arith.cmpi ne, %sign3A_101, %sign3A_108 : i32
          %rem3A_110 = arith.remsi %scan3A_34, %jit3A_95 : i32
          %ne3A_111 = arith.constant 0 : i32
          %ne3A_112 = arith.cmpi ne, %rem3A_110, %ne3A_111 : i32
          %and3A_113 = arith.andi %ne3A_109, %ne3A_112 : i1
          %sub3A = arith.constant 1 : i32
          %sub3A_114 = arith.subi %div3A, %sub3A : i32
          %select_n3A_115 = arith.select %and3A_113, %sub3A_114, %div3A : i32
          %jit3A_116 = arith.constant 2 : i32
          %eq3A_117 = arith.constant 0 : i32
          %eq3A_118 = arith.cmpi eq, %jit3A_116, %eq3A_117 : i32
          %jit3A_119 = arith.constant 1 : i32
          %select_n3A_120 = arith.select %eq3A_118, %jit3A_119, %jit3A_116 : i32
          %rem3A_121 = arith.remsi %scan3A_34, %select_n3A_120 : i32
          %ne3A_122 = arith.constant 0 : i32
          %ne3A_123 = arith.cmpi ne, %rem3A_121, %ne3A_122 : i32
          %lt3A_124 = arith.constant 0 : i32
          %lt3A_125 = arith.cmpi slt, %rem3A_121, %lt3A_124 : i32
          %lt3A_126 = arith.constant 0 : i32
          %lt3A_127 = arith.cmpi slt, %select_n3A_120, %lt3A_126 : i32
          %ne3A_128 = arith.xori %lt3A_125, %lt3A_127 : i1
          %and3A_129 = arith.andi %ne3A_128, %ne3A_123 : i1
          %add3A_130 = arith.addi %rem3A_121, %select_n3A_120 : i32
          %select_n3A_131 = arith.select %and3A_129, %add3A_130, %rem3A_121 : i32
          %mul3A_132 = arith.constant 256 : i32
          %mul3A_133 = arith.muli %select_n3A_131, %mul3A_132 : i32
          %add3A_134 = arith.constant 0 : i32
          %add3A_135 = arith.addi %mul3A_133, %add3A_134 : i32
          %add3A_136 = arith.constant 0 : i32
          %add3A_137 = arith.addi %add3A_135, %add3A_136 : i32
          %get3A = arith.index_cast %select_n3A_115 : i32 to index
          %get3A_138 = arith.index_cast %add3A_137 : i32 to index
          %get3A_139 = tpu.vector_load %arg5[%get3A, %get3A_138] {strides = array<i32>} : memref<33x512xi32, #tpu.memory_space<vmem>>, vector<1x16xi32>,
          %get3A_140 = vector.shape_cast %get3A_139 : vector<1x16xi32> to vector<16xi32>
          %mul3A_141 = arith.constant 33 : i32
          %mul3A_142 = vector.broadcast %mul3A_141 : i32 to vector<16xi32>
          %mul3A_143 = arith.muli %get3A_140, %mul3A_142 : vector<16xi32>
          %add3A_144 = vector.broadcast %select_n3A_115 : i32 to vector<16xi32>
          %add3A_145 = arith.addi %mul3A_143, %add3A_144 : vector<16xi32>
          %swap3A = arith.constant 1 : i32
          %swap3A_146 = arith.constant 0 : i32
          %swap3A_147 = arith.index_cast %swap3A : i32 to index
          %swap3A_148 = arith.index_cast %swap3A_146 : i32 to index
          %swap3A_149 = arith.constant 0 : index
          %swap3A_150 = tpu.vector_load %arg6[%swap3A_147, %swap3A_148, %swap3A_149] {strides = array<i32>} : memref<3x2x128xi32, #tpu.memory_space<vmem>>, vector<1x1x16xi32>,
          %swap3A_151 = vector.shape_cast %swap3A_150 : vector<1x1x16xi32> to vector<16xi32>
          %swap3A_152 = vector.shape_cast %add3A_145 : vector<16xi32> to vector<1x1x16xi32>
          tpu.vector_store %arg6[%swap3A_147, %swap3A_148, %swap3A_149], %swap3A_152 {strides = array<i32>} : memref<3x2x128xi32, #tpu.memory_space<vmem>>, vector<1x1x16xi32>,
          %add3A_153 = arith.constant 0 : i32
          %add3A_154 = arith.addi %mul3A_133, %add3A_153 : i32
          %add3A_155 = arith.constant 16 : i32
          %add3A_156 = arith.addi %add3A_154, %add3A_155 : i32
          %get3A_157 = arith.index_cast %select_n3A_115 : i32 to index
          %get3A_158 = arith.index_cast %add3A_156 : i32 to index
          %get3A_159 = tpu.vector_load %arg5[%get3A_157, %get3A_158] {strides = array<i32>} : memref<33x512xi32, #tpu.memory_space<vmem>>, vector<1x16xi32>,
          %get3A_160 = vector.shape_cast %get3A_159 : vector<1x16xi32> to vector<16xi32>
          %mul3A_161 = arith.constant 33 : i32
          %mul3A_162 = vector.broadcast %mul3A_161 : i32 to vector<16xi32>
          %mul3A_163 = arith.muli %get3A_160, %mul3A_162 : vector<16xi32>
          %add3A_164 = vector.broadcast %select_n3A_115 : i32 to vector<16xi32>
          %add3A_165 = arith.addi %mul3A_163, %add3A_164 : vector<16xi32>
          %swap3A_166 = arith.constant 1 : i32
          %swap3A_167 = arith.constant 0 : i32
          %swap3A_168 = arith.index_cast %swap3A_166 : i32 to index
          %swap3A_169 = arith.index_cast %swap3A_167 : i32 to index
          %swap3A_170 = arith.constant 16 : index
          %swap3A_171 = tpu.vector_load %arg6[%swap3A_168, %swap3A_169, %swap3A_170] {strides = array<i32>} : memref<3x2x128xi32, #tpu.memory_space<vmem>>, vector<1x1x16xi32>,
          %swap3A_172 = vector.shape_cast %swap3A_171 : vector<1x1x16xi32> to vector<16xi32>
          %swap3A_173 = vector.shape_cast %add3A_165 : vector<16xi32> to vector<1x1x16xi32>
          tpu.vector_store %arg6[%swap3A_168, %swap3A_169, %swap3A_170], %swap3A_173 {strides = array<i32>} : memref<3x2x128xi32, #tpu.memory_space<vmem>>, vector<1x1x16xi32>,
          %add3A_174 = arith.constant 0 : i32
          %add3A_175 = arith.addi %mul3A_133, %add3A_174 : i32
          %add3A_176 = arith.constant 32 : i32
          %add3A_177 = arith.addi %add3A_175, %add3A_176 : i32
          %get3A_178 = arith.index_cast %select_n3A_115 : i32 to index
          %get3A_179 = arith.index_cast %add3A_177 : i32 to index
          %get3A_180 = tpu.vector_load %arg5[%get3A_178, %get3A_179] {strides = array<i32>} : memref<33x512xi32, #tpu.memory_space<vmem>>, vector<1x16xi32>,
          %get3A_181 = vector.shape_cast %get3A_180 : vector<1x16xi32> to vector<16xi32>
          %mul3A_182 = arith.constant 33 : i32
          %mul3A_183 = vector.broadcast %mul3A_182 : i32 to vector<16xi32>
          %mul3A_184 = arith.muli %get3A_181, %mul3A_183 : vector<16xi32>
          %add3A_185 = vector.broadcast %select_n3A_115 : i32 to vector<16xi32>
          %add3A_186 = arith.addi %mul3A_184, %add3A_185 : vector<16xi32>
          %swap3A_187 = arith.constant 1 : i32
          %swap3A_188 = arith.constant 0 : i32
          %swap3A_189 = arith.index_cast %swap3A_187 : i32 to index
          %swap3A_190 = arith.index_cast %swap3A_188 : i32 to index
          %swap3A_191 = arith.constant 32 : index
          %swap3A_192 = tpu.vector_load %arg6[%swap3A_189, %swap3A_190, %swap3A_191] {strides = array<i32>} : memref<3x2x128xi32, #tpu.memory_space<vmem>>, vector<1x1x16xi32>,
          %swap3A_193 = vector.shape_cast %swap3A_192 : vector<1x1x16xi32> to vector<16xi32>
          %swap3A_194 = vector.shape_cast %add3A_186 : vector<16xi32> to vector<1x1x16xi32>
          tpu.vector_store %arg6[%swap3A_189, %swap3A_190, %swap3A_191], %swap3A_194 {strides = array<i32>} : memref<3x2x128xi32, #tpu.memory_space<vmem>>, vector<1x1x16xi32>,
          %add3A_195 = arith.constant 0 : i32
          %add3A_196 = arith.addi %mul3A_133, %add3A_195 : i32
          %add3A_197 = arith.constant 48 : i32
          %add3A_198 = arith.addi %add3A_196, %add3A_197 : i32
          %get3A_199 = arith.index_cast %select_n3A_115 : i32 to index
          %get3A_200 = arith.index_cast %add3A_198 : i32 to index
          %get3A_201 = tpu.vector_load %arg5[%get3A_199, %get3A_200] {strides = array<i32>} : memref<33x512xi32, #tpu.memory_space<vmem>>, vector<1x16xi32>,
          %get3A_202 = vector.shape_cast %get3A_201 : vector<1x16xi32> to vector<16xi32>
          %mul3A_203 = arith.constant 33 : i32
          %mul3A_204 = vector.broadcast %mul3A_203 : i32 to vector<16xi32>
          %mul3A_205 = arith.muli %get3A_202, %mul3A_204 : vector<16xi32>
          %add3A_206 = vector.broadcast %select_n3A_115 : i32 to vector<16xi32>
          %add3A_207 = arith.addi %mul3A_205, %add3A_206 : vector<16xi32>
          %swap3A_208 = arith.constant 1 : i32
          %swap3A_209 = arith.constant 0 : i32
          %swap3A_210 = arith.index_cast %swap3A_208 : i32 to index
          %swap3A_211 = arith.index_cast %swap3A_209 : i32 to index
          %swap3A_212 = arith.constant 48 : index
          %swap3A_213 = tpu.vector_load %arg6[%swap3A_210, %swap3A_211, %swap3A_212] {strides = array<i32>} : memref<3x2x128xi32, #tpu.memory_space<vmem>>, vector<1x1x16xi32>,
          %swap3A_214 = vector.shape_cast %swap3A_213 : vector<1x1x16xi32> to vector<16xi32>
          %swap3A_215 = vector.shape_cast %add3A_207 : vector<16xi32> to vector<1x1x16xi32>
          tpu.vector_store %arg6[%swap3A_210, %swap3A_211, %swap3A_212], %swap3A_215 {strides = array<i32>} : memref<3x2x128xi32, #tpu.memory_space<vmem>>, vector<1x1x16xi32>,
          %add3A_216 = arith.constant 0 : i32
          %add3A_217 = arith.addi %mul3A_133, %add3A_216 : i32
          %add3A_218 = arith.constant 64 : i32
          %add3A_219 = arith.addi %add3A_217, %add3A_218 : i32
          %get3A_220 = arith.index_cast %select_n3A_115 : i32 to index
          %get3A_221 = arith.index_cast %add3A_219 : i32 to index
          %get3A_222 = tpu.vector_load %arg5[%get3A_220, %get3A_221] {strides = array<i32>} : memref<33x512xi32, #tpu.memory_space<vmem>>, vector<1x16xi32>,
          %get3A_223 = vector.shape_cast %get3A_222 : vector<1x16xi32> to vector<16xi32>
          %mul3A_224 = arith.constant 33 : i32
          %mul3A_225 = vector.broadcast %mul3A_224 : i32 to vector<16xi32>
          %mul3A_226 = arith.muli %get3A_223, %mul3A_225 : vector<16xi32>
          %add3A_227 = vector.broadcast %select_n3A_115 : i32 to vector<16xi32>
          %add3A_228 = arith.addi %mul3A_226, %add3A_227 : vector<16xi32>
          %swap3A_229 = arith.constant 1 : i32
          %swap3A_230 = arith.constant 0 : i32
          %swap3A_231 = arith.index_cast %swap3A_229 : i32 to index
          %swap3A_232 = arith.index_cast %swap3A_230 : i32 to index
          %swap3A_233 = arith.constant 64 : index
          %swap3A_234 = tpu.vector_load %arg6[%swap3A_231, %swap3A_232, %swap3A_233] {strides = array<i32>} : memref<3x2x128xi32, #tpu.memory_space<vmem>>, vector<1x1x16xi32>,
          %swap3A_235 = vector.shape_cast %swap3A_234 : vector<1x1x16xi32> to vector<16xi32>
          %swap3A_236 = vector.shape_cast %add3A_228 : vector<16xi32> to vector<1x1x16xi32>
          tpu.vector_store %arg6[%swap3A_231, %swap3A_232, %swap3A_233], %swap3A_236 {strides = array<i32>} : memref<3x2x128xi32, #tpu.memory_space<vmem>>, vector<1x1x16xi32>,
          %add3A_237 = arith.constant 0 : i32
          %add3A_238 = arith.addi %mul3A_133, %add3A_237 : i32
          %add3A_239 = arith.constant 80 : i32
          %add3A_240 = arith.addi %add3A_238, %add3A_239 : i32
          %get3A_241 = arith.index_cast %select_n3A_115 : i32 to index
          %get3A_242 = arith.index_cast %add3A_240 : i32 to index
          %get3A_243 = tpu.vector_load %arg5[%get3A_241, %get3A_242] {strides = array<i32>} : memref<33x512xi32, #tpu.memory_space<vmem>>, vector<1x16xi32>,
          %get3A_244 = vector.shape_cast %get3A_243 : vector<1x16xi32> to vector<16xi32>
          %mul3A_245 = arith.constant 33 : i32
          %mul3A_246 = vector.broadcast %mul3A_245 : i32 to vector<16xi32>
          %mul3A_247 = arith.muli %get3A_244, %mul3A_246 : vector<16xi32>
          %add3A_248 = vector.broadcast %select_n3A_115 : i32 to vector<16xi32>
          %add3A_249 = arith.addi %mul3A_247, %add3A_248 : vector<16xi32>
          %swap3A_250 = arith.constant 1 : i32
          %swap3A_251 = arith.constant 0 : i32
          %swap3A_252 = arith.index_cast %swap3A_250 : i32 to index
          %swap3A_253 = arith.index_cast %swap3A_251 : i32 to index
          %swap3A_254 = arith.constant 80 : index
          %swap3A_255 = tpu.vector_load %arg6[%swap3A_252, %swap3A_253, %swap3A_254] {strides = array<i32>} : memref<3x2x128xi32, #tpu.memory_space<vmem>>, vector<1x1x16xi32>,
          %swap3A_256 = vector.shape_cast %swap3A_255 : vector<1x1x16xi32> to vector<16xi32>
          %swap3A_257 = vector.shape_cast %add3A_249 : vector<16xi32> to vector<1x1x16xi32>
          tpu.vector_store %arg6[%swap3A_252, %swap3A_253, %swap3A_254], %swap3A_257 {strides = array<i32>} : memref<3x2x128xi32, #tpu.memory_space<vmem>>, vector<1x1x16xi32>,
          %add3A_258 = arith.constant 0 : i32
          %add3A_259 = arith.addi %mul3A_133, %add3A_258 : i32
          %add3A_260 = arith.constant 96 : i32
          %add3A_261 = arith.addi %add3A_259, %add3A_260 : i32
          %get3A_262 = arith.index_cast %select_n3A_115 : i32 to index
          %get3A_263 = arith.index_cast %add3A_261 : i32 to index
          %get3A_264 = tpu.vector_load %arg5[%get3A_262, %get3A_263] {strides = array<i32>} : memref<33x512xi32, #tpu.memory_space<vmem>>, vector<1x16xi32>,
          %get3A_265 = vector.shape_cast %get3A_264 : vector<1x16xi32> to vector<16xi32>
          %mul3A_266 = arith.constant 33 : i32
          %mul3A_267 = vector.broadcast %mul3A_266 : i32 to vector<16xi32>
          %mul3A_268 = arith.muli %get3A_265, %mul3A_267 : vector<16xi32>
          %add3A_269 = vector.broadcast %select_n3A_115 : i32 to vector<16xi32>
          %add3A_270 = arith.addi %mul3A_268, %add3A_269 : vector<16xi32>
          %swap3A_271 = arith.constant 1 : i32
          %swap3A_272 = arith.constant 0 : i32
          %swap3A_273 = arith.index_cast %swap3A_271 : i32 to index
          %swap3A_274 = arith.index_cast %swap3A_272 : i32 to index
          %swap3A_275 = arith.constant 96 : index
          %swap3A_276 = tpu.vector_load %arg6[%swap3A_273, %swap3A_274, %swap3A_275] {strides = array<i32>} : memref<3x2x128xi32, #tpu.memory_space<vmem>>, vector<1x1x16xi32>,
          %swap3A_277 = vector.shape_cast %swap3A_276 : vector<1x1x16xi32> to vector<16xi32>
          %swap3A_278 = vector.shape_cast %add3A_270 : vector<16xi32> to vector<1x1x16xi32>
          tpu.vector_store %arg6[%swap3A_273, %swap3A_274, %swap3A_275], %swap3A_278 {strides = array<i32>} : memref<3x2x128xi32, #tpu.memory_space<vmem>>, vector<1x1x16xi32>,
          %add3A_279 = arith.constant 0 : i32
          %add3A_280 = arith.addi %mul3A_133, %add3A_279 : i32
          %add3A_281 = arith.constant 112 : i32
          %add3A_282 = arith.addi %add3A_280, %add3A_281 : i32
          %get3A_283 = arith.index_cast %select_n3A_115 : i32 to index
          %get3A_284 = arith.index_cast %add3A_282 : i32 to index
          %get3A_285 = tpu.vector_load %arg5[%get3A_283, %get3A_284] {strides = array<i32>} : memref<33x512xi32, #tpu.memory_space<vmem>>, vector<1x16xi32>,
          %get3A_286 = vector.shape_cast %get3A_285 : vector<1x16xi32> to vector<16xi32>
          %mul3A_287 = arith.constant 33 : i32
          %mul3A_288 = vector.broadcast %mul3A_287 : i32 to vector<16xi32>
          %mul3A_289 = arith.muli %get3A_286, %mul3A_288 : vector<16xi32>
          %add3A_290 = vector.broadcast %select_n3A_115 : i32 to vector<16xi32>
          %add3A_291 = arith.addi %mul3A_289, %add3A_290 : vector<16xi32>
          %swap3A_292 = arith.constant 1 : i32
          %swap3A_293 = arith.constant 0 : i32
          %swap3A_294 = arith.index_cast %swap3A_292 : i32 to index
          %swap3A_295 = arith.index_cast %swap3A_293 : i32 to index
          %swap3A_296 = arith.constant 112 : index
          %swap3A_297 = tpu.vector_load %arg6[%swap3A_294, %swap3A_295, %swap3A_296] {strides = array<i32>} : memref<3x2x128xi32, #tpu.memory_space<vmem>>, vector<1x1x16xi32>,
          %swap3A_298 = vector.shape_cast %swap3A_297 : vector<1x1x16xi32> to vector<16xi32>
          %swap3A_299 = vector.shape_cast %add3A_291 : vector<16xi32> to vector<1x1x16xi32>
          tpu.vector_store %arg6[%swap3A_294, %swap3A_295, %swap3A_296], %swap3A_299 {strides = array<i32>} : memref<3x2x128xi32, #tpu.memory_space<vmem>>, vector<1x1x16xi32>,
          %add3A_300 = arith.constant 128 : i32
          %add3A_301 = arith.addi %mul3A_133, %add3A_300 : i32
          %add3A_302 = arith.constant 0 : i32
          %add3A_303 = arith.addi %add3A_301, %add3A_302 : i32
          %get3A_304 = arith.index_cast %select_n3A_115 : i32 to index
          %get3A_305 = arith.index_cast %add3A_303 : i32 to index
          %get3A_306 = tpu.vector_load %arg5[%get3A_304, %get3A_305] {strides = array<i32>} : memref<33x512xi32, #tpu.memory_space<vmem>>, vector<1x16xi32>,
          %get3A_307 = vector.shape_cast %get3A_306 : vector<1x16xi32> to vector<16xi32>
          %mul3A_308 = arith.constant 33 : i32
          %mul3A_309 = vector.broadcast %mul3A_308 : i32 to vector<16xi32>
          %mul3A_310 = arith.muli %get3A_307, %mul3A_309 : vector<16xi32>
          %add3A_311 = vector.broadcast %select_n3A_115 : i32 to vector<16xi32>
          %add3A_312 = arith.addi %mul3A_310, %add3A_311 : vector<16xi32>
          %swap3A_313 = arith.constant 1 : i32
          %swap3A_314 = arith.constant 1 : i32
          %swap3A_315 = arith.index_cast %swap3A_313 : i32 to index
          %swap3A_316 = arith.index_cast %swap3A_314 : i32 to index
          %swap3A_317 = arith.constant 0 : index
          %swap3A_318 = tpu.vector_load %arg6[%swap3A_315, %swap3A_316, %swap3A_317] {strides = array<i32>} : memref<3x2x128xi32, #tpu.memory_space<vmem>>, vector<1x1x16xi32>,
          %swap3A_319 = vector.shape_cast %swap3A_318 : vector<1x1x16xi32> to vector<16xi32>
          %swap3A_320 = vector.shape_cast %add3A_312 : vector<16xi32> to vector<1x1x16xi32>
          tpu.vector_store %arg6[%swap3A_315, %swap3A_316, %swap3A_317], %swap3A_320 {strides = array<i32>} : memref<3x2x128xi32, #tpu.memory_space<vmem>>, vector<1x1x16xi32>,
          %add3A_321 = arith.constant 128 : i32
          %add3A_322 = arith.addi %mul3A_133, %add3A_321 : i32
          %add3A_323 = arith.constant 16 : i32
          %add3A_324 = arith.addi %add3A_322, %add3A_323 : i32
          %get3A_325 = arith.index_cast %select_n3A_115 : i32 to index
          %get3A_326 = arith.index_cast %add3A_324 : i32 to index
          %get3A_327 = tpu.vector_load %arg5[%get3A_325, %get3A_326] {strides = array<i32>} : memref<33x512xi32, #tpu.memory_space<vmem>>, vector<1x16xi32>,
          %get3A_328 = vector.shape_cast %get3A_327 : vector<1x16xi32> to vector<16xi32>
          %mul3A_329 = arith.constant 33 : i32
          %mul3A_330 = vector.broadcast %mul3A_329 : i32 to vector<16xi32>
          %mul3A_331 = arith.muli %get3A_328, %mul3A_330 : vector<16xi32>
          %add3A_332 = vector.broadcast %select_n3A_115 : i32 to vector<16xi32>
          %add3A_333 = arith.addi %mul3A_331, %add3A_332 : vector<16xi32>
          %swap3A_334 = arith.constant 1 : i32
          %swap3A_335 = arith.constant 1 : i32
          %swap3A_336 = arith.index_cast %swap3A_334 : i32 to index
          %swap3A_337 = arith.index_cast %swap3A_335 : i32 to index
          %swap3A_338 = arith.constant 16 : index
          %swap3A_339 = tpu.vector_load %arg6[%swap3A_336, %swap3A_337, %swap3A_338] {strides = array<i32>} : memref<3x2x128xi32, #tpu.memory_space<vmem>>, vector<1x1x16xi32>,
          %swap3A_340 = vector.shape_cast %swap3A_339 : vector<1x1x16xi32> to vector<16xi32>
          %swap3A_341 = vector.shape_cast %add3A_333 : vector<16xi32> to vector<1x1x16xi32>
          tpu.vector_store %arg6[%swap3A_336, %swap3A_337, %swap3A_338], %swap3A_341 {strides = array<i32>} : memref<3x2x128xi32, #tpu.memory_space<vmem>>, vector<1x1x16xi32>,
          %add3A_342 = arith.constant 128 : i32
          %add3A_343 = arith.addi %mul3A_133, %add3A_342 : i32
          %add3A_344 = arith.constant 32 : i32
          %add3A_345 = arith.addi %add3A_343, %add3A_344 : i32
          %get3A_346 = arith.index_cast %select_n3A_115 : i32 to index
          %get3A_347 = arith.index_cast %add3A_345 : i32 to index
          %get3A_348 = tpu.vector_load %arg5[%get3A_346, %get3A_347] {strides = array<i32>} : memref<33x512xi32, #tpu.memory_space<vmem>>, vector<1x16xi32>,
          %get3A_349 = vector.shape_cast %get3A_348 : vector<1x16xi32> to vector<16xi32>
          %mul3A_350 = arith.constant 33 : i32
          %mul3A_351 = vector.broadcast %mul3A_350 : i32 to vector<16xi32>
          %mul3A_352 = arith.muli %get3A_349, %mul3A_351 : vector<16xi32>
          %add3A_353 = vector.broadcast %select_n3A_115 : i32 to vector<16xi32>
          %add3A_354 = arith.addi %mul3A_352, %add3A_353 : vector<16xi32>
          %swap3A_355 = arith.constant 1 : i32
          %swap3A_356 = arith.constant 1 : i32
          %swap3A_357 = arith.index_cast %swap3A_355 : i32 to index
          %swap3A_358 = arith.index_cast %swap3A_356 : i32 to index
          %swap3A_359 = arith.constant 32 : index
          %swap3A_360 = tpu.vector_load %arg6[%swap3A_357, %swap3A_358, %swap3A_359] {strides = array<i32>} : memref<3x2x128xi32, #tpu.memory_space<vmem>>, vector<1x1x16xi32>,
          %swap3A_361 = vector.shape_cast %swap3A_360 : vector<1x1x16xi32> to vector<16xi32>
          %swap3A_362 = vector.shape_cast %add3A_354 : vector<16xi32> to vector<1x1x16xi32>
          tpu.vector_store %arg6[%swap3A_357, %swap3A_358, %swap3A_359], %swap3A_362 {strides = array<i32>} : memref<3x2x128xi32, #tpu.memory_space<vmem>>, vector<1x1x16xi32>,
          %add3A_363 = arith.constant 128 : i32
          %add3A_364 = arith.addi %mul3A_133, %add3A_363 : i32
          %add3A_365 = arith.constant 48 : i32
          %add3A_366 = arith.addi %add3A_364, %add3A_365 : i32
          %get3A_367 = arith.index_cast %select_n3A_115 : i32 to index
          %get3A_368 = arith.index_cast %add3A_366 : i32 to index
          %get3A_369 = tpu.vector_load %arg5[%get3A_367, %get3A_368] {strides = array<i32>} : memref<33x512xi32, #tpu.memory_space<vmem>>, vector<1x16xi32>,
          %get3A_370 = vector.shape_cast %get3A_369 : vector<1x16xi32> to vector<16xi32>
          %mul3A_371 = arith.constant 33 : i32
          %mul3A_372 = vector.broadcast %mul3A_371 : i32 to vector<16xi32>
          %mul3A_373 = arith.muli %get3A_370, %mul3A_372 : vector<16xi32>
          %add3A_374 = vector.broadcast %select_n3A_115 : i32 to vector<16xi32>
          %add3A_375 = arith.addi %mul3A_373, %add3A_374 : vector<16xi32>
          %swap3A_376 = arith.constant 1 : i32
          %swap3A_377 = arith.constant 1 : i32
          %swap3A_378 = arith.index_cast %swap3A_376 : i32 to index
          %swap3A_379 = arith.index_cast %swap3A_377 : i32 to index
          %swap3A_380 = arith.constant 48 : index
          %swap3A_381 = tpu.vector_load %arg6[%swap3A_378, %swap3A_379, %swap3A_380] {strides = array<i32>} : memref<3x2x128xi32, #tpu.memory_space<vmem>>, vector<1x1x16xi32>,
          %swap3A_382 = vector.shape_cast %swap3A_381 : vector<1x1x16xi32> to vector<16xi32>
          %swap3A_383 = vector.shape_cast %add3A_375 : vector<16xi32> to vector<1x1x16xi32>
          tpu.vector_store %arg6[%swap3A_378, %swap3A_379, %swap3A_380], %swap3A_383 {strides = array<i32>} : memref<3x2x128xi32, #tpu.memory_space<vmem>>, vector<1x1x16xi32>,
          %add3A_384 = arith.constant 128 : i32
          %add3A_385 = arith.addi %mul3A_133, %add3A_384 : i32
          %add3A_386 = arith.constant 64 : i32
          %add3A_387 = arith.addi %add3A_385, %add3A_386 : i32
          %get3A_388 = arith.index_cast %select_n3A_115 : i32 to index
          %get3A_389 = arith.index_cast %add3A_387 : i32 to index
          %get3A_390 = tpu.vector_load %arg5[%get3A_388, %get3A_389] {strides = array<i32>} : memref<33x512xi32, #tpu.memory_space<vmem>>, vector<1x16xi32>,
          %get3A_391 = vector.shape_cast %get3A_390 : vector<1x16xi32> to vector<16xi32>
          %mul3A_392 = arith.constant 33 : i32
          %mul3A_393 = vector.broadcast %mul3A_392 : i32 to vector<16xi32>
          %mul3A_394 = arith.muli %get3A_391, %mul3A_393 : vector<16xi32>
          %add3A_395 = vector.broadcast %select_n3A_115 : i32 to vector<16xi32>
          %add3A_396 = arith.addi %mul3A_394, %add3A_395 : vector<16xi32>
          %swap3A_397 = arith.constant 1 : i32
          %swap3A_398 = arith.constant 1 : i32
          %swap3A_399 = arith.index_cast %swap3A_397 : i32 to index
          %swap3A_400 = arith.index_cast %swap3A_398 : i32 to index
          %swap3A_401 = arith.constant 64 : index
          %swap3A_402 = tpu.vector_load %arg6[%swap3A_399, %swap3A_400, %swap3A_401] {strides = array<i32>} : memref<3x2x128xi32, #tpu.memory_space<vmem>>, vector<1x1x16xi32>,
          %swap3A_403 = vector.shape_cast %swap3A_402 : vector<1x1x16xi32> to vector<16xi32>
          %swap3A_404 = vector.shape_cast %add3A_396 : vector<16xi32> to vector<1x1x16xi32>
          tpu.vector_store %arg6[%swap3A_399, %swap3A_400, %swap3A_401], %swap3A_404 {strides = array<i32>} : memref<3x2x128xi32, #tpu.memory_space<vmem>>, vector<1x1x16xi32>,
          %add3A_405 = arith.constant 128 : i32
          %add3A_406 = arith.addi %mul3A_133, %add3A_405 : i32
          %add3A_407 = arith.constant 80 : i32
          %add3A_408 = arith.addi %add3A_406, %add3A_407 : i32
          %get3A_409 = arith.index_cast %select_n3A_115 : i32 to index
          %get3A_410 = arith.index_cast %add3A_408 : i32 to index
          %get3A_411 = tpu.vector_load %arg5[%get3A_409, %get3A_410] {strides = array<i32>} : memref<33x512xi32, #tpu.memory_space<vmem>>, vector<1x16xi32>,
          %get3A_412 = vector.shape_cast %get3A_411 : vector<1x16xi32> to vector<16xi32>
          %mul3A_413 = arith.constant 33 : i32
          %mul3A_414 = vector.broadcast %mul3A_413 : i32 to vector<16xi32>
          %mul3A_415 = arith.muli %get3A_412, %mul3A_414 : vector<16xi32>
          %add3A_416 = vector.broadcast %select_n3A_115 : i32 to vector<16xi32>
          %add3A_417 = arith.addi %mul3A_415, %add3A_416 : vector<16xi32>
          %swap3A_418 = arith.constant 1 : i32
          %swap3A_419 = arith.constant 1 : i32
          %swap3A_420 = arith.index_cast %swap3A_418 : i32 to index
          %swap3A_421 = arith.index_cast %swap3A_419 : i32 to index
          %swap3A_422 = arith.constant 80 : index
          %swap3A_423 = tpu.vector_load %arg6[%swap3A_420, %swap3A_421, %swap3A_422] {strides = array<i32>} : memref<3x2x128xi32, #tpu.memory_space<vmem>>, vector<1x1x16xi32>,
          %swap3A_424 = vector.shape_cast %swap3A_423 : vector<1x1x16xi32> to vector<16xi32>
          %swap3A_425 = vector.shape_cast %add3A_417 : vector<16xi32> to vector<1x1x16xi32>
          tpu.vector_store %arg6[%swap3A_420, %swap3A_421, %swap3A_422], %swap3A_425 {strides = array<i32>} : memref<3x2x128xi32, #tpu.memory_space<vmem>>, vector<1x1x16xi32>,
          %add3A_426 = arith.constant 128 : i32
          %add3A_427 = arith.addi %mul3A_133, %add3A_426 : i32
          %add3A_428 = arith.constant 96 : i32
          %add3A_429 = arith.addi %add3A_427, %add3A_428 : i32
          %get3A_430 = arith.index_cast %select_n3A_115 : i32 to index
          %get3A_431 = arith.index_cast %add3A_429 : i32 to index
          %get3A_432 = tpu.vector_load %arg5[%get3A_430, %get3A_431] {strides = array<i32>} : memref<33x512xi32, #tpu.memory_space<vmem>>, vector<1x16xi32>,
          %get3A_433 = vector.shape_cast %get3A_432 : vector<1x16xi32> to vector<16xi32>
          %mul3A_434 = arith.constant 33 : i32
          %mul3A_435 = vector.broadcast %mul3A_434 : i32 to vector<16xi32>
          %mul3A_436 = arith.muli %get3A_433, %mul3A_435 : vector<16xi32>
          %add3A_437 = vector.broadcast %select_n3A_115 : i32 to vector<16xi32>
          %add3A_438 = arith.addi %mul3A_436, %add3A_437 : vector<16xi32>
          %swap3A_439 = arith.constant 1 : i32
          %swap3A_440 = arith.constant 1 : i32
          %swap3A_441 = arith.index_cast %swap3A_439 : i32 to index
          %swap3A_442 = arith.index_cast %swap3A_440 : i32 to index
          %swap3A_443 = arith.constant 96 : index
          %swap3A_444 = tpu.vector_load %arg6[%swap3A_441, %swap3A_442, %swap3A_443] {strides = array<i32>} : memref<3x2x128xi32, #tpu.memory_space<vmem>>, vector<1x1x16xi32>,
          %swap3A_445 = vector.shape_cast %swap3A_444 : vector<1x1x16xi32> to vector<16xi32>
          %swap3A_446 = vector.shape_cast %add3A_438 : vector<16xi32> to vector<1x1x16xi32>
          tpu.vector_store %arg6[%swap3A_441, %swap3A_442, %swap3A_443], %swap3A_446 {strides = array<i32>} : memref<3x2x128xi32, #tpu.memory_space<vmem>>, vector<1x1x16xi32>,
          %add3A_447 = arith.constant 128 : i32
          %add3A_448 = arith.addi %mul3A_133, %add3A_447 : i32
          %add3A_449 = arith.constant 112 : i32
          %add3A_450 = arith.addi %add3A_448, %add3A_449 : i32
          %get3A_451 = arith.index_cast %select_n3A_115 : i32 to index
          %get3A_452 = arith.index_cast %add3A_450 : i32 to index
          %get3A_453 = tpu.vector_load %arg5[%get3A_451, %get3A_452] {strides = array<i32>} : memref<33x512xi32, #tpu.memory_space<vmem>>, vector<1x16xi32>,
          %get3A_454 = vector.shape_cast %get3A_453 : vector<1x16xi32> to vector<16xi32>
          %mul3A_455 = arith.constant 33 : i32
          %mul3A_456 = vector.broadcast %mul3A_455 : i32 to vector<16xi32>
          %mul3A_457 = arith.muli %get3A_454, %mul3A_456 : vector<16xi32>
          %add3A_458 = vector.broadcast %select_n3A_115 : i32 to vector<16xi32>
          %add3A_459 = arith.addi %mul3A_457, %add3A_458 : vector<16xi32>
          %swap3A_460 = arith.constant 1 : i32
          %swap3A_461 = arith.constant 1 : i32
          %swap3A_462 = arith.index_cast %swap3A_460 : i32 to index
          %swap3A_463 = arith.index_cast %swap3A_461 : i32 to index
          %swap3A_464 = arith.constant 112 : index
          %swap3A_465 = tpu.vector_load %arg6[%swap3A_462, %swap3A_463, %swap3A_464] {strides = array<i32>} : memref<3x2x128xi32, #tpu.memory_space<vmem>>, vector<1x1x16xi32>,
          %swap3A_466 = vector.shape_cast %swap3A_465 : vector<1x1x16xi32> to vector<16xi32>
          %swap3A_467 = vector.shape_cast %add3A_459 : vector<16xi32> to vector<1x1x16xi32>
          tpu.vector_store %arg6[%swap3A_462, %swap3A_463, %swap3A_464], %swap3A_467 {strides = array<i32>} : memref<3x2x128xi32, #tpu.memory_space<vmem>>, vector<1x1x16xi32>,
          %dma_start3A = arith.constant 1 : i32
          %dma_start3A_468 = arith.constant 0 : i32
          %dma_start3A_469 = arith.constant 0 : i32
          %dma_start3A_470 = arith.constant 0 : i32
          %dma_start3A_471 = tpu.memref_slice %arg8[%dma_start3A_469, %dma_start3A_470] : memref<256x128xf32, #tpu.memory_space<vmem>> -> memref<128x128xf32, #tpu.memory_space<vmem>>
          %dma_start3A_472 = arith.constant 0 : i32
          %dma_start3A_473 = tpu.memref_slice %arg6[%dma_start3A, %dma_start3A_468, %dma_start3A_472] : memref<3x2x128xi32, #tpu.memory_space<vmem>> -> memref<1x1x128xi32, #tpu.memory_space<vmem>>
          %dma_start3A_474 = tpu.memref_squeeze %dma_start3A_473 : memref<1x1x128xi32, #tpu.memory_space<vmem>> -> memref<128xi32, #tpu.memory_space<vmem>>
          %dma_start3A_475 = arith.constant 0 : i32
          %dma_start3A_476 = arith.constant 0 : i32
          %dma_start3A_477 = tpu.memref_slice %arg10[%dma_start3A_475, %dma_start3A_476] : memref<891x128xf32, #tpu.memory_space<vmem_shared>> -> memref<891x128xf32, #tpu.memory_space<vmem_shared>>
          tpu.enqueue_indirect_dma source(%dma_start3A_477 : memref<891x128xf32, #tpu.memory_space<vmem_shared>>) target(%dma_start3A_471 : memref<128x128xf32, #tpu.memory_space<vmem>>) offsets(%dma_start3A_474 : memref<128xi32, #tpu.memory_space<vmem>>) semaphore(%arg11 : memref<!tpu.dma_semaphore, #tpu.memory_space<semaphore_mem>>)
          %dma_start3A_478 = arith.constant 1 : i32
          %dma_start3A_479 = arith.constant 1 : i32
          %dma_start3A_480 = arith.constant 128 : i32
          %dma_start3A_481 = arith.constant 0 : i32
          %dma_start3A_482 = tpu.memref_slice %arg8[%dma_start3A_480, %dma_start3A_481] : memref<256x128xf32, #tpu.memory_space<vmem>> -> memref<128x128xf32, #tpu.memory_space<vmem>>
          %dma_start3A_483 = arith.constant 0 : i32
          %dma_start3A_484 = tpu.memref_slice %arg6[%dma_start3A_478, %dma_start3A_479, %dma_start3A_483] : memref<3x2x128xi32, #tpu.memory_space<vmem>> -> memref<1x1x128xi32, #tpu.memory_space<vmem>>
          %dma_start3A_485 = tpu.memref_squeeze %dma_start3A_484 : memref<1x1x128xi32, #tpu.memory_space<vmem>> -> memref<128xi32, #tpu.memory_space<vmem>>
          %dma_start3A_486 = arith.constant 0 : i32
          %dma_start3A_487 = arith.constant 0 : i32
          %dma_start3A_488 = tpu.memref_slice %arg10[%dma_start3A_486, %dma_start3A_487] : memref<891x128xf32, #tpu.memory_space<vmem_shared>> -> memref<891x128xf32, #tpu.memory_space<vmem_shared>>
          tpu.enqueue_indirect_dma source(%dma_start3A_488 : memref<891x128xf32, #tpu.memory_space<vmem_shared>>) target(%dma_start3A_482 : memref<128x128xf32, #tpu.memory_space<vmem>>) offsets(%dma_start3A_485 : memref<128xi32, #tpu.memory_space<vmem>>) semaphore(%arg11 : memref<!tpu.dma_semaphore, #tpu.memory_space<semaphore_mem>>)
        } else {
        }
      } else {
      }
      %eq3A_63 = arith.constant 1 : i32
      %eq3A_64 = arith.cmpi eq, %select_n3A_45, %eq3A_63 : i32
      %ge3A_65 = arith.constant 1 : i32
      %ge3A_66 = arith.cmpi sge, %scan3A_34, %ge3A_65 : i32
      %and3A_67 = arith.andi %eq3A_64, %ge3A_66 : i1
      %convert_element_type3A_68 = arith.extui %and3A_67 : i1 to i32
      %cond3A_69 = arith.constant 0 : i32
      %cond3A_70 = arith.cmpi ne, %convert_element_type3A_68, %cond3A_69 : i32
      scf.if %cond3A_70 {
        %add3A_85 = arith.constant 0 : i32
        %add3A_86 = arith.addi %add3A_85, %mul3A_2 : i32
        %add3A_87 = arith.constant 0 : i32
        %add3A_88 = arith.addi %add3A_86, %add3A_87 : i32
        %dma_wait3A_89 = arith.constant 0 : i32
        %dma_wait3A_90 = tpu.memref_slice %arg4[%add3A_88, %dma_wait3A_89] : memref<540672x128xf32, #tpu.memory_space<hbm>> -> memref<256x128xf32, #tpu.memory_space<hbm>>
        %dma_wait3A_91 = arith.constant 0 : i32
        %dma_wait3A_92 = tpu.memref_slice %arg4[%add3A_88, %dma_wait3A_91] : memref<540672x128xf32, #tpu.memory_space<hbm>> -> memref<256x128xf32, #tpu.memory_space<hbm>>
        tpu.wait_dma2 semaphore(%arg11 : memref<!tpu.dma_semaphore, #tpu.memory_space<semaphore_mem>>) src(%dma_wait3A_92 : memref<256x128xf32, #tpu.memory_space<hbm>>) dst(%arg7 : memref<256x128xf32, #tpu.memory_space<vmem>>)
        %sub3A = arith.constant 1 : i32
        %sub3A_93 = arith.subi %scan3A_34, %sub3A : i32
        %jit3A_94 = arith.constant 2 : i32
        %div3A = arith.divsi %sub3A_93, %jit3A_94 : i32
        %sign3A = arith.constant 0 : i32
        %sign3A_95 = arith.cmpi sgt, %sub3A_93, %sign3A : i32
        %sign3A_96 = arith.extui %sign3A_95 : i1 to i32
        %sign3A_97 = arith.constant 0 : i32
        %sign3A_98 = arith.cmpi slt, %sub3A_93, %sign3A_97 : i32
        %sign3A_99 = arith.extui %sign3A_98 : i1 to i32
        %sign3A_100 = arith.subi %sign3A_96, %sign3A_99 : i32
        %sign3A_101 = arith.constant 0 : i32
        %sign3A_102 = arith.cmpi sgt, %jit3A_94, %sign3A_101 : i32
        %sign3A_103 = arith.extui %sign3A_102 : i1 to i32
        %sign3A_104 = arith.constant 0 : i32
        %sign3A_105 = arith.cmpi slt, %jit3A_94, %sign3A_104 : i32
        %sign3A_106 = arith.extui %sign3A_105 : i1 to i32
        %sign3A_107 = arith.subi %sign3A_103, %sign3A_106 : i32
        %ne3A_108 = arith.cmpi ne, %sign3A_100, %sign3A_107 : i32
        %rem3A_109 = arith.remsi %sub3A_93, %jit3A_94 : i32
        %ne3A_110 = arith.constant 0 : i32
        %ne3A_111 = arith.cmpi ne, %rem3A_109, %ne3A_110 : i32
        %and3A_112 = arith.andi %ne3A_108, %ne3A_111 : i1
        %sub3A_113 = arith.constant 1 : i32
        %sub3A_114 = arith.subi %div3A, %sub3A_113 : i32
        %select_n3A_115 = arith.select %and3A_112, %sub3A_114, %div3A : i32
        %mul3A_116 = arith.constant 16384 : i32
        %mul3A_117 = arith.muli %select_n3A_115, %mul3A_116 : i32
        %add3A_118 = arith.addi %mul3A_117, %mul3A_2 : i32
        %jit3A_119 = arith.constant 2 : i32
        %eq3A_120 = arith.constant 0 : i32
        %eq3A_121 = arith.cmpi eq, %jit3A_119, %eq3A_120 : i32
        %jit3A_122 = arith.constant 1 : i32
        %select_n3A_123 = arith.select %eq3A_121, %jit3A_122, %jit3A_119 : i32
        %rem3A_124 = arith.remsi %sub3A_93, %select_n3A_123 : i32
        %ne3A_125 = arith.constant 0 : i32
        %ne3A_126 = arith.cmpi ne, %rem3A_124, %ne3A_125 : i32
        %lt3A_127 = arith.constant 0 : i32
        %lt3A_128 = arith.cmpi slt, %rem3A_124, %lt3A_127 : i32
        %lt3A_129 = arith.constant 0 : i32
        %lt3A_130 = arith.cmpi slt, %select_n3A_123, %lt3A_129 : i32
        %ne3A_131 = arith.xori %lt3A_128, %lt3A_130 : i1
        %and3A_132 = arith.andi %ne3A_131, %ne3A_126 : i1
        %add3A_133 = arith.addi %rem3A_124, %select_n3A_123 : i32
        %select_n3A_134 = arith.select %and3A_132, %add3A_133, %rem3A_124 : i32
        %mul3A_135 = arith.constant 256 : i32
        %mul3A_136 = arith.muli %select_n3A_134, %mul3A_135 : i32
        %add3A_137 = arith.addi %add3A_118, %mul3A_136 : i32
        %dma_start3A = arith.constant 0 : i32
        %dma_start3A_138 = tpu.memref_slice %arg4[%add3A_137, %dma_start3A] : memref<540672x128xf32, #tpu.memory_space<hbm>> -> memref<256x128xf32, #tpu.memory_space<hbm>>
        %dma_start3A_139 = arith.constant 0 : i32
        %dma_start3A_140 = tpu.memref_slice %arg4[%add3A_137, %dma_start3A_139] : memref<540672x128xf32, #tpu.memory_space<hbm>> -> memref<256x128xf32, #tpu.memory_space<hbm>>
        tpu.enqueue_dma source(%arg7 : memref<256x128xf32, #tpu.memory_space<vmem>>) target(%dma_start3A_140 : memref<256x128xf32, #tpu.memory_space<hbm>>) target_semaphore(%arg12 : memref<!tpu.dma_semaphore, #tpu.memory_space<semaphore_mem>>)
      } else {
      }
      %eq3A_71 = arith.constant 2 : i32
      %eq3A_72 = arith.cmpi eq, %select_n3A_45, %eq3A_71 : i32
      %convert_element_type3A_73 = arith.extui %eq3A_72 : i1 to i32
      %cond3A_74 = arith.constant 0 : i32
      %cond3A_75 = arith.cmpi ne, %convert_element_type3A_73, %cond3A_74 : i32
      scf.if %cond3A_75 {
        %lt3A_85 = arith.constant 66 : i32
        %lt3A_86 = arith.cmpi slt, %scan3A_34, %lt3A_85 : i32
        %convert_element_type3A_87 = arith.extui %lt3A_86 : i1 to i32
        %cond3A_88 = arith.constant 0 : i32
        %cond3A_89 = arith.cmpi ne, %convert_element_type3A_87, %cond3A_88 : i32
        scf.if %cond3A_89 {
          %ge3A_90 = arith.constant 3 : i32
          %ge3A_91 = arith.cmpi sge, %scan3A_34, %ge3A_90 : i32
          %convert_element_type3A_92 = arith.extui %ge3A_91 : i1 to i32
          %cond3A_93 = arith.constant 0 : i32
          %cond3A_94 = arith.cmpi ne, %convert_element_type3A_92, %cond3A_93 : i32
          scf.if %cond3A_94 {
            %add3A_489 = arith.constant 0 : i32
            %add3A_490 = arith.addi %add3A_489, %mul3A_2 : i32
            %add3A_491 = arith.constant 0 : i32
            %add3A_492 = arith.addi %add3A_490, %add3A_491 : i32
            %dma_wait3A_493 = arith.constant 0 : i32
            %dma_wait3A_494 = tpu.memref_slice %arg4[%add3A_492, %dma_wait3A_493] : memref<540672x128xf32, #tpu.memory_space<hbm>> -> memref<256x128xf32, #tpu.memory_space<hbm>>
            %dma_wait3A_495 = arith.constant 0 : i32
            %dma_wait3A_496 = tpu.memref_slice %arg4[%add3A_492, %dma_wait3A_495] : memref<540672x128xf32, #tpu.memory_space<hbm>> -> memref<256x128xf32, #tpu.memory_space<hbm>>
            tpu.wait_dma2 semaphore(%arg12 : memref<!tpu.dma_semaphore, #tpu.memory_space<semaphore_mem>>) src(%arg9 : memref<256x128xf32, #tpu.memory_space<vmem>>) dst(%dma_wait3A_496 : memref<256x128xf32, #tpu.memory_space<hbm>>)
          } else {
          }
          %jit3A_95 = arith.constant 2 : i32
          %div3A = arith.divsi %scan3A_34, %jit3A_95 : i32
          %sign3A = arith.constant 0 : i32
          %sign3A_96 = arith.cmpi sgt, %scan3A_34, %sign3A : i32
          %sign3A_97 = arith.extui %sign3A_96 : i1 to i32
          %sign3A_98 = arith.constant 0 : i32
          %sign3A_99 = arith.cmpi slt, %scan3A_34, %sign3A_98 : i32
          %sign3A_100 = arith.extui %sign3A_99 : i1 to i32
          %sign3A_101 = arith.subi %sign3A_97, %sign3A_100 : i32
          %sign3A_102 = arith.constant 0 : i32
          %sign3A_103 = arith.cmpi sgt, %jit3A_95, %sign3A_102 : i32
          %sign3A_104 = arith.extui %sign3A_103 : i1 to i32
          %sign3A_105 = arith.constant 0 : i32
          %sign3A_106 = arith.cmpi slt, %jit3A_95, %sign3A_105 : i32
          %sign3A_107 = arith.extui %sign3A_106 : i1 to i32
          %sign3A_108 = arith.subi %sign3A_104, %sign3A_107 : i32
          %ne3A_109 = arith.cmpi ne, %sign3A_101, %sign3A_108 : i32
          %rem3A_110 = arith.remsi %scan3A_34, %jit3A_95 : i32
          %ne3A_111 = arith.constant 0 : i32
          %ne3A_112 = arith.cmpi ne, %rem3A_110, %ne3A_111 : i32
          %and3A_113 = arith.andi %ne3A_109, %ne3A_112 : i1
          %sub3A = arith.constant 1 : i32
          %sub3A_114 = arith.subi %div3A, %sub3A : i32
          %select_n3A_115 = arith.select %and3A_113, %sub3A_114, %div3A : i32
          %jit3A_116 = arith.constant 2 : i32
          %eq3A_117 = arith.constant 0 : i32
          %eq3A_118 = arith.cmpi eq, %jit3A_116, %eq3A_117 : i32
          %jit3A_119 = arith.constant 1 : i32
          %select_n3A_120 = arith.select %eq3A_118, %jit3A_119, %jit3A_116 : i32
          %rem3A_121 = arith.remsi %scan3A_34, %select_n3A_120 : i32
          %ne3A_122 = arith.constant 0 : i32
          %ne3A_123 = arith.cmpi ne, %rem3A_121, %ne3A_122 : i32
          %lt3A_124 = arith.constant 0 : i32
          %lt3A_125 = arith.cmpi slt, %rem3A_121, %lt3A_124 : i32
          %lt3A_126 = arith.constant 0 : i32
          %lt3A_127 = arith.cmpi slt, %select_n3A_120, %lt3A_126 : i32
          %ne3A_128 = arith.xori %lt3A_125, %lt3A_127 : i1
          %and3A_129 = arith.andi %ne3A_128, %ne3A_123 : i1
          %add3A_130 = arith.addi %rem3A_121, %select_n3A_120 : i32
          %select_n3A_131 = arith.select %and3A_129, %add3A_130, %rem3A_121 : i32
          %mul3A_132 = arith.constant 256 : i32
          %mul3A_133 = arith.muli %select_n3A_131, %mul3A_132 : i32
          %add3A_134 = arith.constant 0 : i32
          %add3A_135 = arith.addi %mul3A_133, %add3A_134 : i32
          %add3A_136 = arith.constant 0 : i32
          %add3A_137 = arith.addi %add3A_135, %add3A_136 : i32
          %get3A = arith.index_cast %select_n3A_115 : i32 to index
          %get3A_138 = arith.index_cast %add3A_137 : i32 to index
          %get3A_139 = tpu.vector_load %arg5[%get3A, %get3A_138] {strides = array<i32>} : memref<33x512xi32, #tpu.memory_space<vmem>>, vector<1x16xi32>,
          %get3A_140 = vector.shape_cast %get3A_139 : vector<1x16xi32> to vector<16xi32>
          %mul3A_141 = arith.constant 33 : i32
          %mul3A_142 = vector.broadcast %mul3A_141 : i32 to vector<16xi32>
          %mul3A_143 = arith.muli %get3A_140, %mul3A_142 : vector<16xi32>
          %add3A_144 = vector.broadcast %select_n3A_115 : i32 to vector<16xi32>
          %add3A_145 = arith.addi %mul3A_143, %add3A_144 : vector<16xi32>
          %swap3A = arith.constant 2 : i32
          %swap3A_146 = arith.constant 0 : i32
          %swap3A_147 = arith.index_cast %swap3A : i32 to index
          %swap3A_148 = arith.index_cast %swap3A_146 : i32 to index
          %swap3A_149 = arith.constant 0 : index
          %swap3A_150 = tpu.vector_load %arg6[%swap3A_147, %swap3A_148, %swap3A_149] {strides = array<i32>} : memref<3x2x128xi32, #tpu.memory_space<vmem>>, vector<1x1x16xi32>,
          %swap3A_151 = vector.shape_cast %swap3A_150 : vector<1x1x16xi32> to vector<16xi32>
          %swap3A_152 = vector.shape_cast %add3A_145 : vector<16xi32> to vector<1x1x16xi32>
          tpu.vector_store %arg6[%swap3A_147, %swap3A_148, %swap3A_149], %swap3A_152 {strides = array<i32>} : memref<3x2x128xi32, #tpu.memory_space<vmem>>, vector<1x1x16xi32>,
          %add3A_153 = arith.constant 0 : i32
          %add3A_154 = arith.addi %mul3A_133, %add3A_153 : i32
          %add3A_155 = arith.constant 16 : i32
          %add3A_156 = arith.addi %add3A_154, %add3A_155 : i32
          %get3A_157 = arith.index_cast %select_n3A_115 : i32 to index
          %get3A_158 = arith.index_cast %add3A_156 : i32 to index
          %get3A_159 = tpu.vector_load %arg5[%get3A_157, %get3A_158] {strides = array<i32>} : memref<33x512xi32, #tpu.memory_space<vmem>>, vector<1x16xi32>,
          %get3A_160 = vector.shape_cast %get3A_159 : vector<1x16xi32> to vector<16xi32>
          %mul3A_161 = arith.constant 33 : i32
          %mul3A_162 = vector.broadcast %mul3A_161 : i32 to vector<16xi32>
          %mul3A_163 = arith.muli %get3A_160, %mul3A_162 : vector<16xi32>
          %add3A_164 = vector.broadcast %select_n3A_115 : i32 to vector<16xi32>
          %add3A_165 = arith.addi %mul3A_163, %add3A_164 : vector<16xi32>
          %swap3A_166 = arith.constant 2 : i32
          %swap3A_167 = arith.constant 0 : i32
          %swap3A_168 = arith.index_cast %swap3A_166 : i32 to index
          %swap3A_169 = arith.index_cast %swap3A_167 : i32 to index
          %swap3A_170 = arith.constant 16 : index
          %swap3A_171 = tpu.vector_load %arg6[%swap3A_168, %swap3A_169, %swap3A_170] {strides = array<i32>} : memref<3x2x128xi32, #tpu.memory_space<vmem>>, vector<1x1x16xi32>,
          %swap3A_172 = vector.shape_cast %swap3A_171 : vector<1x1x16xi32> to vector<16xi32>
          %swap3A_173 = vector.shape_cast %add3A_165 : vector<16xi32> to vector<1x1x16xi32>
          tpu.vector_store %arg6[%swap3A_168, %swap3A_169, %swap3A_170], %swap3A_173 {strides = array<i32>} : memref<3x2x128xi32, #tpu.memory_space<vmem>>, vector<1x1x16xi32>,
          %add3A_174 = arith.constant 0 : i32
          %add3A_175 = arith.addi %mul3A_133, %add3A_174 : i32
          %add3A_176 = arith.constant 32 : i32
          %add3A_177 = arith.addi %add3A_175, %add3A_176 : i32
          %get3A_178 = arith.index_cast %select_n3A_115 : i32 to index
          %get3A_179 = arith.index_cast %add3A_177 : i32 to index
          %get3A_180 = tpu.vector_load %arg5[%get3A_178, %get3A_179] {strides = array<i32>} : memref<33x512xi32, #tpu.memory_space<vmem>>, vector<1x16xi32>,
          %get3A_181 = vector.shape_cast %get3A_180 : vector<1x16xi32> to vector<16xi32>
          %mul3A_182 = arith.constant 33 : i32
          %mul3A_183 = vector.broadcast %mul3A_182 : i32 to vector<16xi32>
          %mul3A_184 = arith.muli %get3A_181, %mul3A_183 : vector<16xi32>
          %add3A_185 = vector.broadcast %select_n3A_115 : i32 to vector<16xi32>
          %add3A_186 = arith.addi %mul3A_184, %add3A_185 : vector<16xi32>
          %swap3A_187 = arith.constant 2 : i32
          %swap3A_188 = arith.constant 0 : i32
          %swap3A_189 = arith.index_cast %swap3A_187 : i32 to index
          %swap3A_190 = arith.index_cast %swap3A_188 : i32 to index
          %swap3A_191 = arith.constant 32 : index
          %swap3A_192 = tpu.vector_load %arg6[%swap3A_189, %swap3A_190, %swap3A_191] {strides = array<i32>} : memref<3x2x128xi32, #tpu.memory_space<vmem>>, vector<1x1x16xi32>,
          %swap3A_193 = vector.shape_cast %swap3A_192 : vector<1x1x16xi32> to vector<16xi32>
          %swap3A_194 = vector.shape_cast %add3A_186 : vector<16xi32> to vector<1x1x16xi32>
          tpu.vector_store %arg6[%swap3A_189, %swap3A_190, %swap3A_191], %swap3A_194 {strides = array<i32>} : memref<3x2x128xi32, #tpu.memory_space<vmem>>, vector<1x1x16xi32>,
          %add3A_195 = arith.constant 0 : i32
          %add3A_196 = arith.addi %mul3A_133, %add3A_195 : i32
          %add3A_197 = arith.constant 48 : i32
          %add3A_198 = arith.addi %add3A_196, %add3A_197 : i32
          %get3A_199 = arith.index_cast %select_n3A_115 : i32 to index
          %get3A_200 = arith.index_cast %add3A_198 : i32 to index
          %get3A_201 = tpu.vector_load %arg5[%get3A_199, %get3A_200] {strides = array<i32>} : memref<33x512xi32, #tpu.memory_space<vmem>>, vector<1x16xi32>,
          %get3A_202 = vector.shape_cast %get3A_201 : vector<1x16xi32> to vector<16xi32>
          %mul3A_203 = arith.constant 33 : i32
          %mul3A_204 = vector.broadcast %mul3A_203 : i32 to vector<16xi32>
          %mul3A_205 = arith.muli %get3A_202, %mul3A_204 : vector<16xi32>
          %add3A_206 = vector.broadcast %select_n3A_115 : i32 to vector<16xi32>
          %add3A_207 = arith.addi %mul3A_205, %add3A_206 : vector<16xi32>
          %swap3A_208 = arith.constant 2 : i32
          %swap3A_209 = arith.constant 0 : i32
          %swap3A_210 = arith.index_cast %swap3A_208 : i32 to index
          %swap3A_211 = arith.index_cast %swap3A_209 : i32 to index
          %swap3A_212 = arith.constant 48 : index
          %swap3A_213 = tpu.vector_load %arg6[%swap3A_210, %swap3A_211, %swap3A_212] {strides = array<i32>} : memref<3x2x128xi32, #tpu.memory_space<vmem>>, vector<1x1x16xi32>,
          %swap3A_214 = vector.shape_cast %swap3A_213 : vector<1x1x16xi32> to vector<16xi32>
          %swap3A_215 = vector.shape_cast %add3A_207 : vector<16xi32> to vector<1x1x16xi32>
          tpu.vector_store %arg6[%swap3A_210, %swap3A_211, %swap3A_212], %swap3A_215 {strides = array<i32>} : memref<3x2x128xi32, #tpu.memory_space<vmem>>, vector<1x1x16xi32>,
          %add3A_216 = arith.constant 0 : i32
          %add3A_217 = arith.addi %mul3A_133, %add3A_216 : i32
          %add3A_218 = arith.constant 64 : i32
          %add3A_219 = arith.addi %add3A_217, %add3A_218 : i32
          %get3A_220 = arith.index_cast %select_n3A_115 : i32 to index
          %get3A_221 = arith.index_cast %add3A_219 : i32 to index
          %get3A_222 = tpu.vector_load %arg5[%get3A_220, %get3A_221] {strides = array<i32>} : memref<33x512xi32, #tpu.memory_space<vmem>>, vector<1x16xi32>,
          %get3A_223 = vector.shape_cast %get3A_222 : vector<1x16xi32> to vector<16xi32>
          %mul3A_224 = arith.constant 33 : i32
          %mul3A_225 = vector.broadcast %mul3A_224 : i32 to vector<16xi32>
          %mul3A_226 = arith.muli %get3A_223, %mul3A_225 : vector<16xi32>
          %add3A_227 = vector.broadcast %select_n3A_115 : i32 to vector<16xi32>
          %add3A_228 = arith.addi %mul3A_226, %add3A_227 : vector<16xi32>
          %swap3A_229 = arith.constant 2 : i32
          %swap3A_230 = arith.constant 0 : i32
          %swap3A_231 = arith.index_cast %swap3A_229 : i32 to index
          %swap3A_232 = arith.index_cast %swap3A_230 : i32 to index
          %swap3A_233 = arith.constant 64 : index
          %swap3A_234 = tpu.vector_load %arg6[%swap3A_231, %swap3A_232, %swap3A_233] {strides = array<i32>} : memref<3x2x128xi32, #tpu.memory_space<vmem>>, vector<1x1x16xi32>,
          %swap3A_235 = vector.shape_cast %swap3A_234 : vector<1x1x16xi32> to vector<16xi32>
          %swap3A_236 = vector.shape_cast %add3A_228 : vector<16xi32> to vector<1x1x16xi32>
          tpu.vector_store %arg6[%swap3A_231, %swap3A_232, %swap3A_233], %swap3A_236 {strides = array<i32>} : memref<3x2x128xi32, #tpu.memory_space<vmem>>, vector<1x1x16xi32>,
          %add3A_237 = arith.constant 0 : i32
          %add3A_238 = arith.addi %mul3A_133, %add3A_237 : i32
          %add3A_239 = arith.constant 80 : i32
          %add3A_240 = arith.addi %add3A_238, %add3A_239 : i32
          %get3A_241 = arith.index_cast %select_n3A_115 : i32 to index
          %get3A_242 = arith.index_cast %add3A_240 : i32 to index
          %get3A_243 = tpu.vector_load %arg5[%get3A_241, %get3A_242] {strides = array<i32>} : memref<33x512xi32, #tpu.memory_space<vmem>>, vector<1x16xi32>,
          %get3A_244 = vector.shape_cast %get3A_243 : vector<1x16xi32> to vector<16xi32>
          %mul3A_245 = arith.constant 33 : i32
          %mul3A_246 = vector.broadcast %mul3A_245 : i32 to vector<16xi32>
          %mul3A_247 = arith.muli %get3A_244, %mul3A_246 : vector<16xi32>
          %add3A_248 = vector.broadcast %select_n3A_115 : i32 to vector<16xi32>
          %add3A_249 = arith.addi %mul3A_247, %add3A_248 : vector<16xi32>
          %swap3A_250 = arith.constant 2 : i32
          %swap3A_251 = arith.constant 0 : i32
          %swap3A_252 = arith.index_cast %swap3A_250 : i32 to index
          %swap3A_253 = arith.index_cast %swap3A_251 : i32 to index
          %swap3A_254 = arith.constant 80 : index
          %swap3A_255 = tpu.vector_load %arg6[%swap3A_252, %swap3A_253, %swap3A_254] {strides = array<i32>} : memref<3x2x128xi32, #tpu.memory_space<vmem>>, vector<1x1x16xi32>,
          %swap3A_256 = vector.shape_cast %swap3A_255 : vector<1x1x16xi32> to vector<16xi32>
          %swap3A_257 = vector.shape_cast %add3A_249 : vector<16xi32> to vector<1x1x16xi32>
          tpu.vector_store %arg6[%swap3A_252, %swap3A_253, %swap3A_254], %swap3A_257 {strides = array<i32>} : memref<3x2x128xi32, #tpu.memory_space<vmem>>, vector<1x1x16xi32>,
          %add3A_258 = arith.constant 0 : i32
          %add3A_259 = arith.addi %mul3A_133, %add3A_258 : i32
          %add3A_260 = arith.constant 96 : i32
          %add3A_261 = arith.addi %add3A_259, %add3A_260 : i32
          %get3A_262 = arith.index_cast %select_n3A_115 : i32 to index
          %get3A_263 = arith.index_cast %add3A_261 : i32 to index
          %get3A_264 = tpu.vector_load %arg5[%get3A_262, %get3A_263] {strides = array<i32>} : memref<33x512xi32, #tpu.memory_space<vmem>>, vector<1x16xi32>,
          %get3A_265 = vector.shape_cast %get3A_264 : vector<1x16xi32> to vector<16xi32>
          %mul3A_266 = arith.constant 33 : i32
          %mul3A_267 = vector.broadcast %mul3A_266 : i32 to vector<16xi32>
          %mul3A_268 = arith.muli %get3A_265, %mul3A_267 : vector<16xi32>
          %add3A_269 = vector.broadcast %select_n3A_115 : i32 to vector<16xi32>
          %add3A_270 = arith.addi %mul3A_268, %add3A_269 : vector<16xi32>
          %swap3A_271 = arith.constant 2 : i32
          %swap3A_272 = arith.constant 0 : i32
          %swap3A_273 = arith.index_cast %swap3A_271 : i32 to index
          %swap3A_274 = arith.index_cast %swap3A_272 : i32 to index
          %swap3A_275 = arith.constant 96 : index
          %swap3A_276 = tpu.vector_load %arg6[%swap3A_273, %swap3A_274, %swap3A_275] {strides = array<i32>} : memref<3x2x128xi32, #tpu.memory_space<vmem>>, vector<1x1x16xi32>,
          %swap3A_277 = vector.shape_cast %swap3A_276 : vector<1x1x16xi32> to vector<16xi32>
          %swap3A_278 = vector.shape_cast %add3A_270 : vector<16xi32> to vector<1x1x16xi32>
          tpu.vector_store %arg6[%swap3A_273, %swap3A_274, %swap3A_275], %swap3A_278 {strides = array<i32>} : memref<3x2x128xi32, #tpu.memory_space<vmem>>, vector<1x1x16xi32>,
          %add3A_279 = arith.constant 0 : i32
          %add3A_280 = arith.addi %mul3A_133, %add3A_279 : i32
          %add3A_281 = arith.constant 112 : i32
          %add3A_282 = arith.addi %add3A_280, %add3A_281 : i32
          %get3A_283 = arith.index_cast %select_n3A_115 : i32 to index
          %get3A_284 = arith.index_cast %add3A_282 : i32 to index
          %get3A_285 = tpu.vector_load %arg5[%get3A_283, %get3A_284] {strides = array<i32>} : memref<33x512xi32, #tpu.memory_space<vmem>>, vector<1x16xi32>,
          %get3A_286 = vector.shape_cast %get3A_285 : vector<1x16xi32> to vector<16xi32>
          %mul3A_287 = arith.constant 33 : i32
          %mul3A_288 = vector.broadcast %mul3A_287 : i32 to vector<16xi32>
          %mul3A_289 = arith.muli %get3A_286, %mul3A_288 : vector<16xi32>
          %add3A_290 = vector.broadcast %select_n3A_115 : i32 to vector<16xi32>
          %add3A_291 = arith.addi %mul3A_289, %add3A_290 : vector<16xi32>
          %swap3A_292 = arith.constant 2 : i32
          %swap3A_293 = arith.constant 0 : i32
          %swap3A_294 = arith.index_cast %swap3A_292 : i32 to index
          %swap3A_295 = arith.index_cast %swap3A_293 : i32 to index
          %swap3A_296 = arith.constant 112 : index
          %swap3A_297 = tpu.vector_load %arg6[%swap3A_294, %swap3A_295, %swap3A_296] {strides = array<i32>} : memref<3x2x128xi32, #tpu.memory_space<vmem>>, vector<1x1x16xi32>,
          %swap3A_298 = vector.shape_cast %swap3A_297 : vector<1x1x16xi32> to vector<16xi32>
          %swap3A_299 = vector.shape_cast %add3A_291 : vector<16xi32> to vector<1x1x16xi32>
          tpu.vector_store %arg6[%swap3A_294, %swap3A_295, %swap3A_296], %swap3A_299 {strides = array<i32>} : memref<3x2x128xi32, #tpu.memory_space<vmem>>, vector<1x1x16xi32>,
          %add3A_300 = arith.constant 128 : i32
          %add3A_301 = arith.addi %mul3A_133, %add3A_300 : i32
          %add3A_302 = arith.constant 0 : i32
          %add3A_303 = arith.addi %add3A_301, %add3A_302 : i32
          %get3A_304 = arith.index_cast %select_n3A_115 : i32 to index
          %get3A_305 = arith.index_cast %add3A_303 : i32 to index
          %get3A_306 = tpu.vector_load %arg5[%get3A_304, %get3A_305] {strides = array<i32>} : memref<33x512xi32, #tpu.memory_space<vmem>>, vector<1x16xi32>,
          %get3A_307 = vector.shape_cast %get3A_306 : vector<1x16xi32> to vector<16xi32>
          %mul3A_308 = arith.constant 33 : i32
          %mul3A_309 = vector.broadcast %mul3A_308 : i32 to vector<16xi32>
          %mul3A_310 = arith.muli %get3A_307, %mul3A_309 : vector<16xi32>
          %add3A_311 = vector.broadcast %select_n3A_115 : i32 to vector<16xi32>
          %add3A_312 = arith.addi %mul3A_310, %add3A_311 : vector<16xi32>
          %swap3A_313 = arith.constant 2 : i32
          %swap3A_314 = arith.constant 1 : i32
          %swap3A_315 = arith.index_cast %swap3A_313 : i32 to index
          %swap3A_316 = arith.index_cast %swap3A_314 : i32 to index
          %swap3A_317 = arith.constant 0 : index
          %swap3A_318 = tpu.vector_load %arg6[%swap3A_315, %swap3A_316, %swap3A_317] {strides = array<i32>} : memref<3x2x128xi32, #tpu.memory_space<vmem>>, vector<1x1x16xi32>,
          %swap3A_319 = vector.shape_cast %swap3A_318 : vector<1x1x16xi32> to vector<16xi32>
          %swap3A_320 = vector.shape_cast %add3A_312 : vector<16xi32> to vector<1x1x16xi32>
          tpu.vector_store %arg6[%swap3A_315, %swap3A_316, %swap3A_317], %swap3A_320 {strides = array<i32>} : memref<3x2x128xi32, #tpu.memory_space<vmem>>, vector<1x1x16xi32>,
          %add3A_321 = arith.constant 128 : i32
          %add3A_322 = arith.addi %mul3A_133, %add3A_321 : i32
          %add3A_323 = arith.constant 16 : i32
          %add3A_324 = arith.addi %add3A_322, %add3A_323 : i32
          %get3A_325 = arith.index_cast %select_n3A_115 : i32 to index
          %get3A_326 = arith.index_cast %add3A_324 : i32 to index
          %get3A_327 = tpu.vector_load %arg5[%get3A_325, %get3A_326] {strides = array<i32>} : memref<33x512xi32, #tpu.memory_space<vmem>>, vector<1x16xi32>,
          %get3A_328 = vector.shape_cast %get3A_327 : vector<1x16xi32> to vector<16xi32>
          %mul3A_329 = arith.constant 33 : i32
          %mul3A_330 = vector.broadcast %mul3A_329 : i32 to vector<16xi32>
          %mul3A_331 = arith.muli %get3A_328, %mul3A_330 : vector<16xi32>
          %add3A_332 = vector.broadcast %select_n3A_115 : i32 to vector<16xi32>
          %add3A_333 = arith.addi %mul3A_331, %add3A_332 : vector<16xi32>
          %swap3A_334 = arith.constant 2 : i32
          %swap3A_335 = arith.constant 1 : i32
          %swap3A_336 = arith.index_cast %swap3A_334 : i32 to index
          %swap3A_337 = arith.index_cast %swap3A_335 : i32 to index
          %swap3A_338 = arith.constant 16 : index
          %swap3A_339 = tpu.vector_load %arg6[%swap3A_336, %swap3A_337, %swap3A_338] {strides = array<i32>} : memref<3x2x128xi32, #tpu.memory_space<vmem>>, vector<1x1x16xi32>,
          %swap3A_340 = vector.shape_cast %swap3A_339 : vector<1x1x16xi32> to vector<16xi32>
          %swap3A_341 = vector.shape_cast %add3A_333 : vector<16xi32> to vector<1x1x16xi32>
          tpu.vector_store %arg6[%swap3A_336, %swap3A_337, %swap3A_338], %swap3A_341 {strides = array<i32>} : memref<3x2x128xi32, #tpu.memory_space<vmem>>, vector<1x1x16xi32>,
          %add3A_342 = arith.constant 128 : i32
          %add3A_343 = arith.addi %mul3A_133, %add3A_342 : i32
          %add3A_344 = arith.constant 32 : i32
          %add3A_345 = arith.addi %add3A_343, %add3A_344 : i32
          %get3A_346 = arith.index_cast %select_n3A_115 : i32 to index
          %get3A_347 = arith.index_cast %add3A_345 : i32 to index
          %get3A_348 = tpu.vector_load %arg5[%get3A_346, %get3A_347] {strides = array<i32>} : memref<33x512xi32, #tpu.memory_space<vmem>>, vector<1x16xi32>,
          %get3A_349 = vector.shape_cast %get3A_348 : vector<1x16xi32> to vector<16xi32>
          %mul3A_350 = arith.constant 33 : i32
          %mul3A_351 = vector.broadcast %mul3A_350 : i32 to vector<16xi32>
          %mul3A_352 = arith.muli %get3A_349, %mul3A_351 : vector<16xi32>
          %add3A_353 = vector.broadcast %select_n3A_115 : i32 to vector<16xi32>
          %add3A_354 = arith.addi %mul3A_352, %add3A_353 : vector<16xi32>
          %swap3A_355 = arith.constant 2 : i32
          %swap3A_356 = arith.constant 1 : i32
          %swap3A_357 = arith.index_cast %swap3A_355 : i32 to index
          %swap3A_358 = arith.index_cast %swap3A_356 : i32 to index
          %swap3A_359 = arith.constant 32 : index
          %swap3A_360 = tpu.vector_load %arg6[%swap3A_357, %swap3A_358, %swap3A_359] {strides = array<i32>} : memref<3x2x128xi32, #tpu.memory_space<vmem>>, vector<1x1x16xi32>,
          %swap3A_361 = vector.shape_cast %swap3A_360 : vector<1x1x16xi32> to vector<16xi32>
          %swap3A_362 = vector.shape_cast %add3A_354 : vector<16xi32> to vector<1x1x16xi32>
          tpu.vector_store %arg6[%swap3A_357, %swap3A_358, %swap3A_359], %swap3A_362 {strides = array<i32>} : memref<3x2x128xi32, #tpu.memory_space<vmem>>, vector<1x1x16xi32>,
          %add3A_363 = arith.constant 128 : i32
          %add3A_364 = arith.addi %mul3A_133, %add3A_363 : i32
          %add3A_365 = arith.constant 48 : i32
          %add3A_366 = arith.addi %add3A_364, %add3A_365 : i32
          %get3A_367 = arith.index_cast %select_n3A_115 : i32 to index
          %get3A_368 = arith.index_cast %add3A_366 : i32 to index
          %get3A_369 = tpu.vector_load %arg5[%get3A_367, %get3A_368] {strides = array<i32>} : memref<33x512xi32, #tpu.memory_space<vmem>>, vector<1x16xi32>,
          %get3A_370 = vector.shape_cast %get3A_369 : vector<1x16xi32> to vector<16xi32>
          %mul3A_371 = arith.constant 33 : i32
          %mul3A_372 = vector.broadcast %mul3A_371 : i32 to vector<16xi32>
          %mul3A_373 = arith.muli %get3A_370, %mul3A_372 : vector<16xi32>
          %add3A_374 = vector.broadcast %select_n3A_115 : i32 to vector<16xi32>
          %add3A_375 = arith.addi %mul3A_373, %add3A_374 : vector<16xi32>
          %swap3A_376 = arith.constant 2 : i32
          %swap3A_377 = arith.constant 1 : i32
          %swap3A_378 = arith.index_cast %swap3A_376 : i32 to index
          %swap3A_379 = arith.index_cast %swap3A_377 : i32 to index
          %swap3A_380 = arith.constant 48 : index
          %swap3A_381 = tpu.vector_load %arg6[%swap3A_378, %swap3A_379, %swap3A_380] {strides = array<i32>} : memref<3x2x128xi32, #tpu.memory_space<vmem>>, vector<1x1x16xi32>,
          %swap3A_382 = vector.shape_cast %swap3A_381 : vector<1x1x16xi32> to vector<16xi32>
          %swap3A_383 = vector.shape_cast %add3A_375 : vector<16xi32> to vector<1x1x16xi32>
          tpu.vector_store %arg6[%swap3A_378, %swap3A_379, %swap3A_380], %swap3A_383 {strides = array<i32>} : memref<3x2x128xi32, #tpu.memory_space<vmem>>, vector<1x1x16xi32>,
          %add3A_384 = arith.constant 128 : i32
          %add3A_385 = arith.addi %mul3A_133, %add3A_384 : i32
          %add3A_386 = arith.constant 64 : i32
          %add3A_387 = arith.addi %add3A_385, %add3A_386 : i32
          %get3A_388 = arith.index_cast %select_n3A_115 : i32 to index
          %get3A_389 = arith.index_cast %add3A_387 : i32 to index
          %get3A_390 = tpu.vector_load %arg5[%get3A_388, %get3A_389] {strides = array<i32>} : memref<33x512xi32, #tpu.memory_space<vmem>>, vector<1x16xi32>,
          %get3A_391 = vector.shape_cast %get3A_390 : vector<1x16xi32> to vector<16xi32>
          %mul3A_392 = arith.constant 33 : i32
          %mul3A_393 = vector.broadcast %mul3A_392 : i32 to vector<16xi32>
          %mul3A_394 = arith.muli %get3A_391, %mul3A_393 : vector<16xi32>
          %add3A_395 = vector.broadcast %select_n3A_115 : i32 to vector<16xi32>
          %add3A_396 = arith.addi %mul3A_394, %add3A_395 : vector<16xi32>
          %swap3A_397 = arith.constant 2 : i32
          %swap3A_398 = arith.constant 1 : i32
          %swap3A_399 = arith.index_cast %swap3A_397 : i32 to index
          %swap3A_400 = arith.index_cast %swap3A_398 : i32 to index
          %swap3A_401 = arith.constant 64 : index
          %swap3A_402 = tpu.vector_load %arg6[%swap3A_399, %swap3A_400, %swap3A_401] {strides = array<i32>} : memref<3x2x128xi32, #tpu.memory_space<vmem>>, vector<1x1x16xi32>,
          %swap3A_403 = vector.shape_cast %swap3A_402 : vector<1x1x16xi32> to vector<16xi32>
          %swap3A_404 = vector.shape_cast %add3A_396 : vector<16xi32> to vector<1x1x16xi32>
          tpu.vector_store %arg6[%swap3A_399, %swap3A_400, %swap3A_401], %swap3A_404 {strides = array<i32>} : memref<3x2x128xi32, #tpu.memory_space<vmem>>, vector<1x1x16xi32>,
          %add3A_405 = arith.constant 128 : i32
          %add3A_406 = arith.addi %mul3A_133, %add3A_405 : i32
          %add3A_407 = arith.constant 80 : i32
          %add3A_408 = arith.addi %add3A_406, %add3A_407 : i32
          %get3A_409 = arith.index_cast %select_n3A_115 : i32 to index
          %get3A_410 = arith.index_cast %add3A_408 : i32 to index
          %get3A_411 = tpu.vector_load %arg5[%get3A_409, %get3A_410] {strides = array<i32>} : memref<33x512xi32, #tpu.memory_space<vmem>>, vector<1x16xi32>,
          %get3A_412 = vector.shape_cast %get3A_411 : vector<1x16xi32> to vector<16xi32>
          %mul3A_413 = arith.constant 33 : i32
          %mul3A_414 = vector.broadcast %mul3A_413 : i32 to vector<16xi32>
          %mul3A_415 = arith.muli %get3A_412, %mul3A_414 : vector<16xi32>
          %add3A_416 = vector.broadcast %select_n3A_115 : i32 to vector<16xi32>
          %add3A_417 = arith.addi %mul3A_415, %add3A_416 : vector<16xi32>
          %swap3A_418 = arith.constant 2 : i32
          %swap3A_419 = arith.constant 1 : i32
          %swap3A_420 = arith.index_cast %swap3A_418 : i32 to index
          %swap3A_421 = arith.index_cast %swap3A_419 : i32 to index
          %swap3A_422 = arith.constant 80 : index
          %swap3A_423 = tpu.vector_load %arg6[%swap3A_420, %swap3A_421, %swap3A_422] {strides = array<i32>} : memref<3x2x128xi32, #tpu.memory_space<vmem>>, vector<1x1x16xi32>,
          %swap3A_424 = vector.shape_cast %swap3A_423 : vector<1x1x16xi32> to vector<16xi32>
          %swap3A_425 = vector.shape_cast %add3A_417 : vector<16xi32> to vector<1x1x16xi32>
          tpu.vector_store %arg6[%swap3A_420, %swap3A_421, %swap3A_422], %swap3A_425 {strides = array<i32>} : memref<3x2x128xi32, #tpu.memory_space<vmem>>, vector<1x1x16xi32>,
          %add3A_426 = arith.constant 128 : i32
          %add3A_427 = arith.addi %mul3A_133, %add3A_426 : i32
          %add3A_428 = arith.constant 96 : i32
          %add3A_429 = arith.addi %add3A_427, %add3A_428 : i32
          %get3A_430 = arith.index_cast %select_n3A_115 : i32 to index
          %get3A_431 = arith.index_cast %add3A_429 : i32 to index
          %get3A_432 = tpu.vector_load %arg5[%get3A_430, %get3A_431] {strides = array<i32>} : memref<33x512xi32, #tpu.memory_space<vmem>>, vector<1x16xi32>,
          %get3A_433 = vector.shape_cast %get3A_432 : vector<1x16xi32> to vector<16xi32>
          %mul3A_434 = arith.constant 33 : i32
          %mul3A_435 = vector.broadcast %mul3A_434 : i32 to vector<16xi32>
          %mul3A_436 = arith.muli %get3A_433, %mul3A_435 : vector<16xi32>
          %add3A_437 = vector.broadcast %select_n3A_115 : i32 to vector<16xi32>
          %add3A_438 = arith.addi %mul3A_436, %add3A_437 : vector<16xi32>
          %swap3A_439 = arith.constant 2 : i32
          %swap3A_440 = arith.constant 1 : i32
          %swap3A_441 = arith.index_cast %swap3A_439 : i32 to index
          %swap3A_442 = arith.index_cast %swap3A_440 : i32 to index
          %swap3A_443 = arith.constant 96 : index
          %swap3A_444 = tpu.vector_load %arg6[%swap3A_441, %swap3A_442, %swap3A_443] {strides = array<i32>} : memref<3x2x128xi32, #tpu.memory_space<vmem>>, vector<1x1x16xi32>,
          %swap3A_445 = vector.shape_cast %swap3A_444 : vector<1x1x16xi32> to vector<16xi32>
          %swap3A_446 = vector.shape_cast %add3A_438 : vector<16xi32> to vector<1x1x16xi32>
          tpu.vector_store %arg6[%swap3A_441, %swap3A_442, %swap3A_443], %swap3A_446 {strides = array<i32>} : memref<3x2x128xi32, #tpu.memory_space<vmem>>, vector<1x1x16xi32>,
          %add3A_447 = arith.constant 128 : i32
          %add3A_448 = arith.addi %mul3A_133, %add3A_447 : i32
          %add3A_449 = arith.constant 112 : i32
          %add3A_450 = arith.addi %add3A_448, %add3A_449 : i32
          %get3A_451 = arith.index_cast %select_n3A_115 : i32 to index
          %get3A_452 = arith.index_cast %add3A_450 : i32 to index
          %get3A_453 = tpu.vector_load %arg5[%get3A_451, %get3A_452] {strides = array<i32>} : memref<33x512xi32, #tpu.memory_space<vmem>>, vector<1x16xi32>,
          %get3A_454 = vector.shape_cast %get3A_453 : vector<1x16xi32> to vector<16xi32>
          %mul3A_455 = arith.constant 33 : i32
          %mul3A_456 = vector.broadcast %mul3A_455 : i32 to vector<16xi32>
          %mul3A_457 = arith.muli %get3A_454, %mul3A_456 : vector<16xi32>
          %add3A_458 = vector.broadcast %select_n3A_115 : i32 to vector<16xi32>
          %add3A_459 = arith.addi %mul3A_457, %add3A_458 : vector<16xi32>
          %swap3A_460 = arith.constant 2 : i32
          %swap3A_461 = arith.constant 1 : i32
          %swap3A_462 = arith.index_cast %swap3A_460 : i32 to index
          %swap3A_463 = arith.index_cast %swap3A_461 : i32 to index
          %swap3A_464 = arith.constant 112 : index
          %swap3A_465 = tpu.vector_load %arg6[%swap3A_462, %swap3A_463, %swap3A_464] {strides = array<i32>} : memref<3x2x128xi32, #tpu.memory_space<vmem>>, vector<1x1x16xi32>,
          %swap3A_466 = vector.shape_cast %swap3A_465 : vector<1x1x16xi32> to vector<16xi32>
          %swap3A_467 = vector.shape_cast %add3A_459 : vector<16xi32> to vector<1x1x16xi32>
          tpu.vector_store %arg6[%swap3A_462, %swap3A_463, %swap3A_464], %swap3A_467 {strides = array<i32>} : memref<3x2x128xi32, #tpu.memory_space<vmem>>, vector<1x1x16xi32>,
          %dma_start3A = arith.constant 2 : i32
          %dma_start3A_468 = arith.constant 0 : i32
          %dma_start3A_469 = arith.constant 0 : i32
          %dma_start3A_470 = arith.constant 0 : i32
          %dma_start3A_471 = tpu.memref_slice %arg9[%dma_start3A_469, %dma_start3A_470] : memref<256x128xf32, #tpu.memory_space<vmem>> -> memref<128x128xf32, #tpu.memory_space<vmem>>
          %dma_start3A_472 = arith.constant 0 : i32
          %dma_start3A_473 = tpu.memref_slice %arg6[%dma_start3A, %dma_start3A_468, %dma_start3A_472] : memref<3x2x128xi32, #tpu.memory_space<vmem>> -> memref<1x1x128xi32, #tpu.memory_space<vmem>>
          %dma_start3A_474 = tpu.memref_squeeze %dma_start3A_473 : memref<1x1x128xi32, #tpu.memory_space<vmem>> -> memref<128xi32, #tpu.memory_space<vmem>>
          %dma_start3A_475 = arith.constant 0 : i32
          %dma_start3A_476 = arith.constant 0 : i32
          %dma_start3A_477 = tpu.memref_slice %arg10[%dma_start3A_475, %dma_start3A_476] : memref<891x128xf32, #tpu.memory_space<vmem_shared>> -> memref<891x128xf32, #tpu.memory_space<vmem_shared>>
          tpu.enqueue_indirect_dma source(%dma_start3A_477 : memref<891x128xf32, #tpu.memory_space<vmem_shared>>) target(%dma_start3A_471 : memref<128x128xf32, #tpu.memory_space<vmem>>) offsets(%dma_start3A_474 : memref<128xi32, #tpu.memory_space<vmem>>) semaphore(%arg11 : memref<!tpu.dma_semaphore, #tpu.memory_space<semaphore_mem>>)
          %dma_start3A_478 = arith.constant 2 : i32
          %dma_start3A_479 = arith.constant 1 : i32
          %dma_start3A_480 = arith.constant 128 : i32
          %dma_start3A_481 = arith.constant 0 : i32
          %dma_start3A_482 = tpu.memref_slice %arg9[%dma_start3A_480, %dma_start3A_481] : memref<256x128xf32, #tpu.memory_space<vmem>> -> memref<128x128xf32, #tpu.memory_space<vmem>>
          %dma_start3A_483 = arith.constant 0 : i32
          %dma_start3A_484 = tpu.memref_slice %arg6[%dma_start3A_478, %dma_start3A_479, %dma_start3A_483] : memref<3x2x128xi32, #tpu.memory_space<vmem>> -> memref<1x1x128xi32, #tpu.memory_space<vmem>>
          %dma_start3A_485 = tpu.memref_squeeze %dma_start3A_484 : memref<1x1x128xi32, #tpu.memory_space<vmem>> -> memref<128xi32, #tpu.memory_space<vmem>>
          %dma_start3A_486 = arith.constant 0 : i32
          %dma_start3A_487 = arith.constant 0 : i32
          %dma_start3A_488 = tpu.memref_slice %arg10[%dma_start3A_486, %dma_start3A_487] : memref<891x128xf32, #tpu.memory_space<vmem_shared>> -> memref<891x128xf32, #tpu.memory_space<vmem_shared>>
          tpu.enqueue_indirect_dma source(%dma_start3A_488 : memref<891x128xf32, #tpu.memory_space<vmem_shared>>) target(%dma_start3A_482 : memref<128x128xf32, #tpu.memory_space<vmem>>) offsets(%dma_start3A_485 : memref<128xi32, #tpu.memory_space<vmem>>) semaphore(%arg11 : memref<!tpu.dma_semaphore, #tpu.memory_space<semaphore_mem>>)
        } else {
        }
      } else {
      }
      %eq3A_76 = arith.constant 2 : i32
      %eq3A_77 = arith.cmpi eq, %select_n3A_45, %eq3A_76 : i32
      %ge3A_78 = arith.constant 1 : i32
      %ge3A_79 = arith.cmpi sge, %scan3A_34, %ge3A_78 : i32
      %and3A_80 = arith.andi %eq3A_77, %ge3A_79 : i1
      %convert_element_type3A_81 = arith.extui %and3A_80 : i1 to i32
      %cond3A_82 = arith.constant 0 : i32
      %cond3A_83 = arith.cmpi ne, %convert_element_type3A_81, %cond3A_82 : i32
      scf.if %cond3A_83 {
        %add3A_85 = arith.constant 0 : i32
        %add3A_86 = arith.addi %add3A_85, %mul3A_2 : i32
        %add3A_87 = arith.constant 0 : i32
        %add3A_88 = arith.addi %add3A_86, %add3A_87 : i32
        %dma_wait3A_89 = arith.constant 0 : i32
        %dma_wait3A_90 = tpu.memref_slice %arg4[%add3A_88, %dma_wait3A_89] : memref<540672x128xf32, #tpu.memory_space<hbm>> -> memref<256x128xf32, #tpu.memory_space<hbm>>
        %dma_wait3A_91 = arith.constant 0 : i32
        %dma_wait3A_92 = tpu.memref_slice %arg4[%add3A_88, %dma_wait3A_91] : memref<540672x128xf32, #tpu.memory_space<hbm>> -> memref<256x128xf32, #tpu.memory_space<hbm>>
        tpu.wait_dma2 semaphore(%arg11 : memref<!tpu.dma_semaphore, #tpu.memory_space<semaphore_mem>>) src(%dma_wait3A_92 : memref<256x128xf32, #tpu.memory_space<hbm>>) dst(%arg8 : memref<256x128xf32, #tpu.memory_space<vmem>>)
        %sub3A = arith.constant 1 : i32
        %sub3A_93 = arith.subi %scan3A_34, %sub3A : i32
        %jit3A_94 = arith.constant 2 : i32
        %div3A = arith.divsi %sub3A_93, %jit3A_94 : i32
        %sign3A = arith.constant 0 : i32
        %sign3A_95 = arith.cmpi sgt, %sub3A_93, %sign3A : i32
        %sign3A_96 = arith.extui %sign3A_95 : i1 to i32
        %sign3A_97 = arith.constant 0 : i32
        %sign3A_98 = arith.cmpi slt, %sub3A_93, %sign3A_97 : i32
        %sign3A_99 = arith.extui %sign3A_98 : i1 to i32
        %sign3A_100 = arith.subi %sign3A_96, %sign3A_99 : i32
        %sign3A_101 = arith.constant 0 : i32
        %sign3A_102 = arith.cmpi sgt, %jit3A_94, %sign3A_101 : i32
        %sign3A_103 = arith.extui %sign3A_102 : i1 to i32
        %sign3A_104 = arith.constant 0 : i32
        %sign3A_105 = arith.cmpi slt, %jit3A_94, %sign3A_104 : i32
        %sign3A_106 = arith.extui %sign3A_105 : i1 to i32
        %sign3A_107 = arith.subi %sign3A_103, %sign3A_106 : i32
        %ne3A_108 = arith.cmpi ne, %sign3A_100, %sign3A_107 : i32
        %rem3A_109 = arith.remsi %sub3A_93, %jit3A_94 : i32
        %ne3A_110 = arith.constant 0 : i32
        %ne3A_111 = arith.cmpi ne, %rem3A_109, %ne3A_110 : i32
        %and3A_112 = arith.andi %ne3A_108, %ne3A_111 : i1
        %sub3A_113 = arith.constant 1 : i32
        %sub3A_114 = arith.subi %div3A, %sub3A_113 : i32
        %select_n3A_115 = arith.select %and3A_112, %sub3A_114, %div3A : i32
        %mul3A_116 = arith.constant 16384 : i32
        %mul3A_117 = arith.muli %select_n3A_115, %mul3A_116 : i32
        %add3A_118 = arith.addi %mul3A_117, %mul3A_2 : i32
        %jit3A_119 = arith.constant 2 : i32
        %eq3A_120 = arith.constant 0 : i32
        %eq3A_121 = arith.cmpi eq, %jit3A_119, %eq3A_120 : i32
        %jit3A_122 = arith.constant 1 : i32
        %select_n3A_123 = arith.select %eq3A_121, %jit3A_122, %jit3A_119 : i32
        %rem3A_124 = arith.remsi %sub3A_93, %select_n3A_123 : i32
        %ne3A_125 = arith.constant 0 : i32
        %ne3A_126 = arith.cmpi ne, %rem3A_124, %ne3A_125 : i32
        %lt3A_127 = arith.constant 0 : i32
        %lt3A_128 = arith.cmpi slt, %rem3A_124, %lt3A_127 : i32
        %lt3A_129 = arith.constant 0 : i32
        %lt3A_130 = arith.cmpi slt, %select_n3A_123, %lt3A_129 : i32
        %ne3A_131 = arith.xori %lt3A_128, %lt3A_130 : i1
        %and3A_132 = arith.andi %ne3A_131, %ne3A_126 : i1
        %add3A_133 = arith.addi %rem3A_124, %select_n3A_123 : i32
        %select_n3A_134 = arith.select %and3A_132, %add3A_133, %rem3A_124 : i32
        %mul3A_135 = arith.constant 256 : i32
        %mul3A_136 = arith.muli %select_n3A_134, %mul3A_135 : i32
        %add3A_137 = arith.addi %add3A_118, %mul3A_136 : i32
        %dma_start3A = arith.constant 0 : i32
        %dma_start3A_138 = tpu.memref_slice %arg4[%add3A_137, %dma_start3A] : memref<540672x128xf32, #tpu.memory_space<hbm>> -> memref<256x128xf32, #tpu.memory_space<hbm>>
        %dma_start3A_139 = arith.constant 0 : i32
        %dma_start3A_140 = tpu.memref_slice %arg4[%add3A_137, %dma_start3A_139] : memref<540672x128xf32, #tpu.memory_space<hbm>> -> memref<256x128xf32, #tpu.memory_space<hbm>>
        tpu.enqueue_dma source(%arg8 : memref<256x128xf32, #tpu.memory_space<vmem>>) target(%dma_start3A_140 : memref<256x128xf32, #tpu.memory_space<hbm>>) target_semaphore(%arg12 : memref<!tpu.dma_semaphore, #tpu.memory_space<semaphore_mem>>)
      } else {
      }
      %scan3A_84 = arith.constant 0 : i32
      scf.yield %scan3A_84 : i32
    }
    %scan3A_10 = arith.constant 67 : i32
    %add3A_11 = arith.constant 0 : i32
    %add3A_12 = arith.addi %add3A_11, %mul3A_2 : i32
    %add3A_13 = arith.constant 0 : i32
    %add3A_14 = arith.addi %add3A_12, %add3A_13 : i32
    %dma_wait3A = arith.constant 0 : i32
    %dma_wait3A_15 = tpu.memref_slice %arg4[%add3A_14, %dma_wait3A] : memref<540672x128xf32, #tpu.memory_space<hbm>> -> memref<256x128xf32, #tpu.memory_space<hbm>>
    %dma_wait3A_16 = arith.constant 0 : i32
    %dma_wait3A_17 = tpu.memref_slice %arg4[%add3A_14, %dma_wait3A_16] : memref<540672x128xf32, #tpu.memory_space<hbm>> -> memref<256x128xf32, #tpu.memory_space<hbm>>
    tpu.wait_dma2 semaphore(%arg12 : memref<!tpu.dma_semaphore, #tpu.memory_space<semaphore_mem>>) src(%arg7 : memref<256x128xf32, #tpu.memory_space<vmem>>) dst(%dma_wait3A_17 : memref<256x128xf32, #tpu.memory_space<hbm>>)
    %add3A_18 = arith.constant 0 : i32
    %add3A_19 = arith.addi %add3A_18, %mul3A_2 : i32
    %add3A_20 = arith.constant 0 : i32
    %add3A_21 = arith.addi %add3A_19, %add3A_20 : i32
    %dma_wait3A_22 = arith.constant 0 : i32
    %dma_wait3A_23 = tpu.memref_slice %arg4[%add3A_21, %dma_wait3A_22] : memref<540672x128xf32, #tpu.memory_space<hbm>> -> memref<256x128xf32, #tpu.memory_space<hbm>>
    %dma_wait3A_24 = arith.constant 0 : i32
    %dma_wait3A_25 = tpu.memref_slice %arg4[%add3A_21, %dma_wait3A_24] : memref<540672x128xf32, #tpu.memory_space<hbm>> -> memref<256x128xf32, #tpu.memory_space<hbm>>
    tpu.wait_dma2 semaphore(%arg12 : memref<!tpu.dma_semaphore, #tpu.memory_space<semaphore_mem>>) src(%arg8 : memref<256x128xf32, #tpu.memory_space<vmem>>) dst(%dma_wait3A_25 : memref<256x128xf32, #tpu.memory_space<hbm>>)
    %add3A_26 = arith.constant 0 : i32
    %add3A_27 = arith.addi %add3A_26, %mul3A_2 : i32
    %add3A_28 = arith.constant 0 : i32
    %add3A_29 = arith.addi %add3A_27, %add3A_28 : i32
    %dma_wait3A_30 = arith.constant 0 : i32
    %dma_wait3A_31 = tpu.memref_slice %arg4[%add3A_29, %dma_wait3A_30] : memref<540672x128xf32, #tpu.memory_space<hbm>> -> memref<256x128xf32, #tpu.memory_space<hbm>>
    %dma_wait3A_32 = arith.constant 0 : i32
    %dma_wait3A_33 = tpu.memref_slice %arg4[%add3A_29, %dma_wait3A_32] : memref<540672x128xf32, #tpu.memory_space<hbm>> -> memref<256x128xf32, #tpu.memory_space<hbm>>
    tpu.wait_dma2 semaphore(%arg12 : memref<!tpu.dma_semaphore, #tpu.memory_space<semaphore_mem>>) src(%arg9 : memref<256x128xf32, #tpu.memory_space<vmem>>) dst(%dma_wait3A_33 : memref<256x128xf32, #tpu.memory_space<hbm>>)
    return
  }
}

module attributes {stable_mosaic.version = 14 : i64} {
  func.func @_ln_table_body(%arg0: memref<27x128xf32, #tpu.memory_space<vmem>>, %arg1: memref<33x128xf32, #tpu.memory_space<vmem>>, %arg2: memref<1x1x128xf32, #tpu.memory_space<vmem>>, %arg3: memref<1x1x128xf32, #tpu.memory_space<vmem>>, %arg4: memref<27x33x128xf32, #tpu.memory_space<vmem>>) attributes {dimension_semantics = [], scalar_prefetch = 0 : i64, scratch_operands = 0 : i64, tpu.core_type = #tpu.core_type<tc>} {
    %get3A = arith.constant 0 : index
    %get3A_0 = arith.constant 0 : index
    %get3A_1 = vector.load %arg0[%get3A, %get3A_0] : memref<27x128xf32, #tpu.memory_space<vmem>>, vector<27x128xf32>
    %broadcast_in_dim3A = vector.shape_cast %get3A_1 : vector<27x128xf32> to vector<27x1x128xf32>
    %get3A_2 = arith.constant 0 : index
    %get3A_3 = arith.constant 0 : index
    %get3A_4 = vector.load %arg1[%get3A_2, %get3A_3] : memref<33x128xf32, #tpu.memory_space<vmem>>, vector<33x128xf32>
    %broadcast_in_dim3A_5 = vector.shape_cast %get3A_4 : vector<33x128xf32> to vector<1x33x128xf32>
    %add3A = vector.broadcast %broadcast_in_dim3A : vector<27x1x128xf32> to vector<27x33x128xf32>
    %add3A_6 = vector.broadcast %broadcast_in_dim3A_5 : vector<1x33x128xf32> to vector<27x33x128xf32>
    %add3A_7 = arith.addf %add3A, %add3A_6 : vector<27x33x128xf32>
    %reduce_sum3A = arith.constant dense<0.000000e+00> : vector<27x33xf32>
    %reduce_sum3A_8 = vector.multi_reduction <add>, %add3A_7, %reduce_sum3A [2] : vector<27x33x128xf32> to vector<27x33xf32>
    %broadcast_in_dim3A_9 = vector.shape_cast %reduce_sum3A_8 : vector<27x33xf32> to vector<27x33x1xf32>
    %div3A = arith.constant 1.280000e+02 : f32
    %div3A_10 = vector.broadcast %div3A : f32 to vector<27x33x1xf32>
    %div3A_11 = arith.divf %broadcast_in_dim3A_9, %div3A_10 : vector<27x33x1xf32>
    %sub3A = vector.broadcast %div3A_11 : vector<27x33x1xf32> to vector<27x33x128xf32>
    %sub3A_12 = arith.subf %add3A_7, %sub3A : vector<27x33x128xf32>
    %mul3A = arith.mulf %sub3A_12, %sub3A_12 : vector<27x33x128xf32>
    %reduce_sum3A_13 = arith.constant dense<0.000000e+00> : vector<27x33xf32>
    %reduce_sum3A_14 = vector.multi_reduction <add>, %mul3A, %reduce_sum3A_13 [2] : vector<27x33x128xf32> to vector<27x33xf32>
    %broadcast_in_dim3A_15 = vector.shape_cast %reduce_sum3A_14 : vector<27x33xf32> to vector<27x33x1xf32>
    %div3A_16 = arith.constant 1.280000e+02 : f32
    %div3A_17 = vector.broadcast %div3A_16 : f32 to vector<27x33x1xf32>
    %div3A_18 = arith.divf %broadcast_in_dim3A_15, %div3A_17 : vector<27x33x1xf32>
    %add3A_19 = arith.constant 9.99999974E-6 : f32
    %add3A_20 = vector.broadcast %add3A_19 : f32 to vector<27x33x1xf32>
    %add3A_21 = arith.addf %div3A_18, %add3A_20 : vector<27x33x1xf32>
    %rsqrt3A = math.rsqrt %add3A_21 : vector<27x33x1xf32>
    %mul3A_22 = vector.broadcast %rsqrt3A : vector<27x33x1xf32> to vector<27x33x128xf32>
    %mul3A_23 = arith.mulf %sub3A_12, %mul3A_22 : vector<27x33x128xf32>
    %get3A_24 = arith.constant 0 : index
    %get3A_25 = arith.constant 0 : index
    %get3A_26 = arith.constant 0 : index
    %get3A_27 = vector.load %arg2[%get3A_24, %get3A_25, %get3A_26] : memref<1x1x128xf32, #tpu.memory_space<vmem>>, vector<1x1x128xf32>
    %mul3A_28 = vector.broadcast %get3A_27 : vector<1x1x128xf32> to vector<27x33x128xf32>
    %mul3A_29 = arith.mulf %mul3A_23, %mul3A_28 : vector<27x33x128xf32>
    %get3A_30 = arith.constant 0 : index
    %get3A_31 = arith.constant 0 : index
    %get3A_32 = arith.constant 0 : index
    %get3A_33 = vector.load %arg3[%get3A_30, %get3A_31, %get3A_32] : memref<1x1x128xf32, #tpu.memory_space<vmem>>, vector<1x1x128xf32>
    %add3A_34 = vector.broadcast %get3A_33 : vector<1x1x128xf32> to vector<27x33x128xf32>
    %add3A_35 = arith.addf %mul3A_29, %add3A_34 : vector<27x33x128xf32>
    %swap3A = arith.constant 0 : index
    %swap3A_36 = arith.constant 0 : index
    %swap3A_37 = arith.constant 0 : index
    %swap3A_38 = vector.load %arg4[%swap3A, %swap3A_36, %swap3A_37] : memref<27x33x128xf32, #tpu.memory_space<vmem>>, vector<27x33x128xf32>
    tpu.vector_store %arg4[%swap3A, %swap3A_36, %swap3A_37], %add3A_35 {strides = array<i32>} : memref<27x33x128xf32, #tpu.memory_space<vmem>>, vector<27x33x128xf32>,
    return
  }
}

</mosaic_0001>

<sc_bundles>
// kernel: kernel.4.cloned.1.call-start
scs
__scs_entry_jumppad:
0x0: {  	(pc) =	sbr.rel $0x88, $3  }
0x1: {  	(tag) =	ssettag $0x0;
	lr =	simm.s32 $0x1  }
0x2: {  	[smem:$0x3F9C] =	sst lr;
	_ =	strace $0xD0000000  }
0x3: {  	_ = 	snop  }
0x4: {  	_ = 	snop  }
0x5: {  	_ = 	snop  }
0x6: {  	_ = 	snop  }
0x7: {  	_ = 	snop  }
__scs_overlays_trampoline_lowered:
0x8: {  	[smem:$0x3FAB] =	sst s0  }
0x9: {  	[smem:$0x3FAC] =	sst s1  }
0xa: {  	[smem:$0x3FAD] =	sst s2  }
0xb: {  	[smem:$0x3FAE] =	sst s3  }
0xc: {  	[smem:$0x3FAF] =	sst s4  }
0xd: {  	[smem:$0x3FB0] =	sst s5  }
0xe: {  	[smem:$0x3FB1] =	sst s6  }
0xf: {  	[smem:$0x3FB2] =	sst s7  }
0x10: {  	[smem:$0x3FB3] =	sst s8  }
0x11: {  	[smem:$0x3FB4] =	sst s9;
	s0 =	simm.s32 @!p0 $0x0  }
0x12: {  	s1 =	sld [smem:$0x3F9A];
	s0 =	simm.s32 @p0 $0x1  }
0x13: {  	[smem:$0x3FB5] =	sst s0;
	s0 =	simm.s32 @!p1 $0x0  }
0x14: {  	s2 =	sld [smem:$0x3F99];
	s0 =	simm.s32 @p1 $0x1  }
0x15: {  	[smem:$0x3FB6] =	sst s0;
	s0 =	simm.s32 @!p2 $0x0  }
0x16: {  	s3 =	sld [smem:$0x3FDB];
	s0 =	simm.s32 @p2 $0x1  }
0x17: {  	s4 =	simm.s32 $0x1BF5;
	[smem:$0x3FB8] =	sst s0  }
0x18: {  	s0 =	sld [smem:$0x3F9B];
	_ =	swait.ge [sflag:s4], $0x0  }
0x19: {  	s7 =	sld [smem:$0x3F9C]  }
0x1a: {  	s8 =	sadd.s32 $0xFFFFE003, lr  }
0x1b: {  	s9 =	sadd.s32 $0xFFFFFEF7, lr;
	s5 =	simm.s32 $0xFFFFFFFF;
	p2 =	slt.u32 s8, $0xFFFFF086  }
0x1c: {  	p1 =	slt.u32 s9, $0xF7A;
	s5 =	simm.s32 @!p2 $0x0  }
0x1d: {  	s5 =	simm.s32 @p1 $0x1;
	p0 =	seq.s32 s7, s2  }
0x1e: {  	s7 =	smul.u32 @!p0 $0xF7A, s2;
	p2 =	seq.s32 @!p0 s5, $0x0  }
0x1f: {  	s9 =	smul.u32 $0xF7A, s1;
	s8 =	simm.s32 @!p0 $0x1BF5;
	p2 =	por !p2, p0  }
0x20: {  	[sflag:s8] =	ssyncset.s32 @!p0 $0xFFFFF086;
	s6 =	sadd.s32 @!p0 s3, s7;
	s7 =	simm.s32 @!p0 $0x108  }
0x21: {  	s3 =	sadd.s32 s3, s9;
	s6 =	sadd.s32 @!p0 $0x88, s6;
	s7 =	simm.s32 @p2 $0x1082  }
0x22: {  	[simem:s7], [sflag:s8] =	dma.local @!p0 [hbm:s6], $0xF7A  }
0x23: {  	s9 =	sor.u32 $0xD0000000, s2;
	s6 =	simm.s32 $0x108;
	_ =	swait.ge @!p0 [sflag:s8], $0x0  }
0x24: {  	s3 =	sadd.s32 $0x88, s3;
	s6 =	simm.s32 @!p1 $0x1082;
	[sflag:s4] =	ssyncset.s32 $0xFFFFF086  }
0x25: {  	[simem:s6], [sflag:s4] =	dma.local [hbm:s3], $0xF7A  }
0x26: {  	[smem:$0x3F9C] =	sst s1;
	(tag) =	ssettag s2;
	_ =	strace s9  }
0x27: {  	s1 =	sld [smem:$0x3FAC]  }
0x28: {  	s2 =	sld [smem:$0x3FAD]  }
0x29: {  	s4 =	sld [smem:$0x3FAF]  }
0x2a: {  	p0 =	seq.s32 s5, $0x0;
	s5 =	sld [smem:$0x3FB0]  }
0x2b: {  	s6 =	sld [smem:$0x3FB1]  }
0x2c: {  	s7 =	sld [smem:$0x3FB2]  }
0x2d: {  	s3 =	simm.s32 $0x108;
	s8 =	sld [smem:$0x3FB3]  }
0x2e: {  	s3 =	simm.s32 @!p0 $0x1082;
	s9 =	sld [smem:$0x3FB4]  }
0x2f: {  	lr =	sadd.s32 s0, s3;
	s0 =	sld [smem:$0x3FAB]  }
0x30: {  	s3 =	sld [smem:$0x3FAE]  }
0x31: {  	[smem:$0x3FB7] =	sst s10  }
0x32: {  	s10 =	sld [smem:$0x3FB5];
	_ =	sdelay $0x3  }
0x33: {  	p0 =	seq.s32 s10, $0x1;
	s10 =	sld [smem:$0x3FB7];
	_ =	sdelay $0x3  }
0x34: {  	[smem:$0x3FB7] =	sst s10  }
0x35: {  	s10 =	sld [smem:$0x3FB6];
	_ =	sdelay $0x3  }
0x36: {  	p1 =	seq.s32 s10, $0x1;
	s10 =	sld [smem:$0x3FB7];
	_ =	sdelay $0x3  }
0x37: {  	[smem:$0x3FB7] =	sst s10  }
0x38: {  	s10 =	sld [smem:$0x3FB8]  }
0x39: {  	_ = 	snop;
	(pc) =	sbr.ind lr, $3  }
0x3a: {  	_ = 	snop  }
0x3b: {  	_ = 	snop  }
0x3c: {  	p2 =	seq.s32 s10, $0x1;
	s10 =	sld [smem:$0x3FB7]  }
0x3d: {  	_ =	shalt  }
0x3e: {  	_ =	shalt  }
0x3f: {  	_ =	shalt  }
0x40: {  	_ =	shalt  }
0x41: {  	_ =	shalt  }
0x42: {  	_ =	shalt  }
0x43: {  	_ =	shalt  }
0x44: {  	_ =	shalt  }
0x45: {  	_ =	shalt  }
0x46: {  	_ =	shalt  }
0x47: {  	_ =	shalt  }
0x48: {  	_ =	shalt  }
0x49: {  	_ =	shalt  }
0x4a: {  	_ =	shalt  }
0x4b: {  	_ =	shalt  }
0x4c: {  	_ =	shalt  }
0x4d: {  	_ =	shalt  }
0x4e: {  	_ =	shalt  }
0x4f: {  	_ =	shalt  }
0x50: {  	_ =	shalt  }
0x51: {  	_ =	shalt  }
0x52: {  	_ =	shalt  }
0x53: {  	_ =	shalt  }
0x54: {  	_ =	shalt  }
0x55: {  	_ =	shalt  }
0x56: {  	_ =	shalt  }
0x57: {  	_ =	shalt  }
0x58: {  	_ =	shalt  }
0x59: {  	_ =	shalt  }
0x5a: {  	_ =	shalt  }
0x5b: {  	_ =	shalt  }
0x5c: {  	_ =	shalt  }
0x5d: {  	_ =	shalt  }
0x5e: {  	_ =	shalt  }
0x5f: {  	_ =	shalt  }
0x60: {  	_ =	shalt  }
0x61: {  	_ =	shalt  }
0x62: {  	_ =	shalt  }
0x63: {  	_ =	shalt  }
0x64: {  	_ =	shalt  }
0x65: {  	_ =	shalt  }
0x66: {  	_ =	shalt  }
0x67: {  	_ =	shalt  }
0x68: {  	_ =	shalt  }
0x69: {  	_ =	shalt  }
0x6a: {  	_ =	shalt  }
0x6b: {  	_ =	shalt  }
0x6c: {  	_ =	shalt  }
0x6d: {  	_ =	shalt  }
0x6e: {  	_ =	shalt  }
0x6f: {  	_ =	shalt  }
0x70: {  	_ =	shalt  }
0x71: {  	_ =	shalt  }
0x72: {  	_ =	shalt  }
0x73: {  	_ =	shalt  }
0x74: {  	_ =	shalt  }
0x75: {  	_ =	shalt  }
0x76: {  	_ =	shalt  }
0x77: {  	_ =	shalt  }
0x78: {  	_ =	shalt  }
0x79: {  	_ =	shalt  }
0x7a: {  	_ =	shalt  }
0x7b: {  	_ =	shalt  }
0x7c: {  	_ =	shalt  }
0x7d: {  	_ =	shalt  }
0x7e: {  	_ =	shalt  }
0x7f: {  	_ =	shalt  }
0x80: {  	_ =	shalt  }
0x81: {  	_ =	shalt  }
0x82: {  	_ =	shalt  }
0x83: {  	_ =	shalt  }
0x84: {  	_ =	shalt  }
0x85: {  	_ =	shalt  }
0x86: {  	_ =	shalt  }
0x87: {  	_ =	shalt  }
.Lfunc_end0:
.L_simem_size_0:
called_computation_lowered:
.L_overlay_start_0:
0x88: {  	s2 =	sld [smem:$0x3FD9]  }
0x89: {  	s3 =	sld [smem:$0x3FFE];
	_ =	sdelay $0x1  }
0x8a: {  	s1 =	srdreg.scid  }
0x8b: {  	s0 =	sand.u32 $0x1, s1  }
0x8c: {  	s17 =	sshll.u32 s0, $0xA;
	s2 =	sadd.s32 s3, s2  }
0x8d: {  	s2 =	sadd.s32 s2, s17  }
0x8e: {  	[smem:$0x3FC3] =	sst s2  }
0x8f: {  	_ = 	snop  }
0x90: {  	s2 =	sld [smem:$0x3FC9]  }
0x91: {  	s18 =	sld [smem:$0x3FD0];
	(tm) =	ssettm $0x1  }
0x92: {  	s4 =	sld [smem:$0x3FFB];
	_ =	sdelay $0x3  }
0x93: {  	_ =	strace s4  }
0x94: {  	s4 =	sld [smem:$0x3FFC];
	_ =	sdelay $0x3  }
0x95: {  	_ =	strace s4  }
0x96: {  	s4 =	sld [smem:$0x3FFD];
	_ =	sdelay $0x3  }
0x97: {  	_ =	strace s4  }
0x98: {  	_ =	strace $0x8FFFFFFF  }
0x99: {  	s19 =	sld [smem:$0x3FDB];
	_ =	sdelay $0x1  }
0x9a: {  	s5 =	simm.s32 $_scs_section_size  }
0x9b: {  	s6 =	simm.s32 $_size__tile_overlayer_lowered;
	s7 =	simm.s32 $_tile_overlayer_lowered  }
0x9c: {  	s22 =	simm.s32 $0x1BFF;
	s21 =	sshll.u32 s7, $0x1;
	s4 =	sadd.s32 s5, s19  }
0x9d: {  	s8 =	simm.s32 $0x0;
	s20 =	sshll.u32 s6, $0x1;
	s6 =	sadd.s32 s21, s4  }
0x9e: {  	[timem:s8], [sflag:s22] =	dma.local [hbm:s6], s20  }
0x9f: {  	_ =	swait.ge [sflag:s22], s20  }
0xa0: {  	s5 =	ssub.s32 $0x0, s20;
	[sflag:s22] =	ssyncset.done $0x0  }
0xa1: {  	[sflag:s22] =	ssyncadd.s32 s5;
	_ =	sdelay $0x1  }
0xa2: {  	s23 =	simm.s32 $0x1B8B  }
0xa3: {  	_ =	swait.ge [sflag:s23], $0x1  }
0xa4: {  	[sflag:s23] =	ssyncset.done $0x0  }
0xa5: {  	s25 =	simm.s32 $0x1B8E;
	s24 =	sld [smem:$0x3FFE];
	[sflag:s23] =	ssyncadd.s32 $0xFFFFFFFF  }
0xa6: {  	s26 =	simm.s32 $execute0_lowered;
	[smem:$0x3FD2] =	sst s25  }
0xa7: {  	s6 =	sshll.u32 s26, $0x1;
	_ =	strace $0x80000046;
	[dreg:$0x1] =	wrdreg $0xFFFFFFFF  }
0xa8: {  	s28 =	simm.s32 $_size_execute0_lowered;
	s4 =	sadd.s32 s4, s6;
	[dreg:$0x0] =	wrdreg $0x0  }
0xa9: {  	s6 =	sshll.u32 s28, $0x1;
	[dreg:$0x2] =	wrdreg s4  }
0xaa: {  	[dreg:$0x3] =	wrdreg s6  }
0xab: {  	[dreg:$0x4] =	wrdreg $0xC0  }
0xac: {  	_ =	task [dreg:s8], $0x5FFFF  }
0xad: {  	[dreg:$0x1] =	wrdreg $0xFFFFFFFF  }
0xae: {  	[dreg:$0x0] =	wrdreg $0x60  }
0xaf: {  	[dreg:$0x2] =	wrdreg s2  }
0xb0: {  	[dreg:$0x3] =	wrdreg s24  }
0xb1: {  	[dreg:$0x4] =	wrdreg s18  }
0xb2: {  	[dreg:$0x5] =	wrdreg $0x1D3000  }
0xb3: {  	[dreg:$0x6] =	wrdreg $0x9  }
0xb4: {  	_ =	task.clear_ibuf [dreg:s8], $0x7FFFF;
	_ =	strace $0x90000046  }
0xb5: {  	s29 =	simm.s32 $0x9;
	_ =	strace $0x80000048  }
0xb6: {  	_ =	swait.ge [sflag:s29], $0x1  }
0xb7: {  	[sflag:s29] =	ssyncadd.s32 $0xFFFFFFFF  }
0xb8: {  	_ =	strace $0x90000048  }
0xb9: {  	_ =	sfence  }
0xba: {  	s30 =	sld [smem:$0x0];
	_ =	sdelay $0x2  }
0xbb: {  	s31 =	sshll.u32 s1, $0xD;
	s1 =	sshrl.u32 s1, $0x2  }
0xbc: {  	s3 =	sand.u32 $0x4000, s31;
	s1 =	sadd.s32 s1, s30  }
0xbd: {  	s0 =	sor.u32 s3, s0;
	s1 =	sshll.u32 s1, $0x11  }
0xbe: {  	s0 =	sor.u32 s1, s0  }
0xbf: {  	s0 =	sadd.s32 $0x8F2B, s0  }
0xc0: {  	[sflag:s0] =	ssyncadd.remote.s32 $0x1  }
0xc1: {  	_ =	sfence.sel $0xFFFF  }
0xc2: {  	[dreg:$0x0] =	wrdreg $0xFFFFFFFF;
	(pc) =	sbr.abs _section_cstart, $3  }
0xc3: {  	[dreg:$0x1] =	wrdreg $0xFFFFFFFF  }
0xc4: {  	_ =	task.clear_ibuf [dreg:s8], $0x2FFFF;
	_ =	strace $0x9FFFFFFF  }
0xc5: {  	(tm) =	ssettm $0x7FFFFFFF  }
tec
execute0_lowered:
.L_overlay_start_1:
0x0: {  	(tag) =	ssettag $0x1  }
0x1: {  	s0 =	rddreg [dreg:$0x0]  }
0x2: {  	s4 =	rddreg [dreg:$0x1]  }
0x3: {  	s1 =	rddreg [dreg:$0x2]  }
0x4: {  	s2 =	rddreg [dreg:$0x3];
	s3 =	simm.s32 $0x0  }
0x5: {  	s5 =	srdreg.scid;
	s7 =	stileid.u32;
	s11 =	simm.s32 $0x3  }
0x6: {  	s12 =	simm.s32 $0x80;
	s13 =	simm.s32 $0x5000;
	s14 =	simm.s32 $0x5300  }
0x7: {  	s15 =	simm.s32 $0x5080;
	s16 =	simm.s32 $0x9300;
	s17 =	simm.s32 $0x2  }
0x8: {  	s18 =	simm.s32 $0x1;
	s20 =	simm.s32 $0x15300;
	s21 =	simm.s32 $0x5280  }
0x9: {  	s22 =	simm.s32 $0x19300;
	s23 =	simm.s32 $0x5100;
	s24 =	simm.s32 $0xD300  }
0xa: {  	s25 =	simm.s32 $0x5180;
	s26 =	simm.s32 $0x11300;
	s28 =	simm.s32 $0x0  }
.Ltmp0:
0xb: {  	[smem:$0x7FF] =	sst s3;
	s5 =	sand.u32 $0x1, s5;
	(pc) =	sbr.rel .LBB2_1-.Ltmp0, $4  }
0xc: {  	s8 =	sshll.u32 s7, $0xA;
	s4 =	sadd.s32 $0xC00, s4;
	s6 =	ssub.s32 $0x2, s5  }
0xd: {  	p0 =	sne.s32 s7, $0x0;
	s5 =	sshll.u32 s5, $0x9;
	s9 =	sshrl.u32 s6, $0x1  }
0xe: {  	_ =	strace $0x80000047;
	s5 =	sor.u32 s5, s8;
	s31 =	ssub.s32 s6, s9  }
0xf: {  	s8 =	sshrl.u32 @!p0 s2, $0x3;
	s6 =	sadd.s32 s0, s5;
	s7 =	smax.u32 s31, $0x1  }
.LBB2_12:
0x10: {  	_ =	swait.ge [sflag:s17], $0x8000  }
0x11: {  	[sflag:s17] =	ssyncset.done $0x0  }
0x12: {  	s28 =	sadd.s32 $0x1, s28;
	[sflag:s17] =	ssyncadd.s32 $0xFFFF8000  }
0x13: {  	p1 =	sne.s32 s28, s7;
	_ =	swait.ge [sflag:s17], $0x8000  }
.Ltmp1:
0x14: {  	[sflag:s17] =	ssyncset.done $0x0;
	(pc) =	sbr.rel @!p1 .LBB2_13-.Ltmp1, $4  }
0x15: {  	[sflag:s17] =	ssyncadd.s32 $0xFFFF8000  }
0x16: {  	_ =	swait.ge [sflag:s17], $0x8000  }
0x17: {  	[sflag:s17] =	ssyncset.done $0x0  }
0x18: {  	[sflag:s17] =	ssyncadd.s32 $0xFFFF8000  }
.LBB2_1:
0x19: {  	s0 =	simm.s32 @!p0 $0x1C03  }
0x1a: {  	[spmem:s8], [sflag:s0] =	dma.local @!p0 [hbm:s4], $0x37B0  }
0x1b: {  	s0 =	simm.s32 @!p0 $0x3  }
0x1c: {  	_ =	swait.ge @!p0 [sflag:s0], $0x37B0  }
0x1d: {  	[sflag:s0] =	ssyncset.done @!p0 $0x0  }
0x1e: {  	s19 =	simm.s32 $0x1000;
	s9 =	simm.s32 $0x20000;
	[sflag:s0] =	ssyncadd.s32 @!p0 $0xFFFFC850  }
0x1f: {  	[tilespmem:s3], [sflag:$0x3] =	stream.strided.gather [hbm4b:s6+s19], $0x5000, s9, s19, $0x38;
	[tilespmem:$0x1EED8] =	vst v63  }
.Ltmp2:
0x20: {  	_ =	swait.ge [sflag:s11], $0x5000;
	(pc) =	sbr.rel .LBB2_2-.Ltmp2, $4  }
0x21: {  	[sflag:s11] =	ssyncset.done $0x0  }
0x22: {  	[sflag:s11] =	ssyncadd.s32 $0xFFFFB000  }
0x23: {  	[bflag:$0x0] =	sbarrier.arrive $0xFFFF  }
0x24: {  	s29 =	simm.s32 $0xFFFFFF00;
	s30 =	simm.s32 $0x0;
	s31 =	simm.s32 $0x0  }
.LBB2_5:
0x25: {  	p1 =	seq.s32 s31, $0x0  }
0x26: {  	s9 =	sand.u32 @!p1 $0xFF, s0  }
0x27: {  	p2 =	seq.s32 @!p1 s9, $0x0  }
0x28: {  	p1 =	por p1, !p2  }
.Ltmp3:
0x29: {  	_ = 	snop;
	(pc) =	sbr.rel @p1 .LBB2_6-.Ltmp3, $1  }
0x2a: {  	_ =	sdelay $0x3  }
.LBB2_4:
0x2b: {  	s0 =	sadd.s32 $0xFFFFFFFF, s31  }
0x2c: {  	s9 =	sand.u32 $0x1, s0  }
0x2d: {  	p1 =	slt.u32 s31, $0x2;
	p2 =	seq.s32 s9, $0x1  }
0x2e: {  	p1 =	por !p1, !p2  }
0x2f: {  	s9 =	simm.s32 $0x1;
	p1 =	por !p1, !p1  }
0x30: {  	s0 =	sshrl.u32 s0, $0x1;
	s9 =	simm.s32 @!p1 $0x0  }
0x31: {  	_ =	swait.ge [sflag:s18], $0x8000;
	s0 =	ssub.s32 s0, s9  }
0x32: {  	s19 =	sand.u32 $0x100, s29;
	[sflag:s18] =	ssyncset.done $0x0;
	s0 =	sshll.u32 s0, $0xE  }
0x33: {  	[sflag:s18] =	ssyncadd.s32 $0xFFFF8000;
	s9 =	simm.s32 $0x15300;
	s0 =	sor.u32 s19, s0  }
.LBB2_10:
0x34: {  	s0 =	sor.u32 s5, s0  }
0x35: {  	s0 =	sshll.u32 s0, $0x4  }
0x36: {  	s0 =	sadd.s32 s1, s0  }
0x37: {  	[hbm4b:s0+s3] =	stream.linear.scatter [tilespmem:s9], [sflag:$0x2], $0x8000, $0x38;
	[tilespmem:$0x1EED8] =	vst v63  }
.LBB2_11:
0x38: {  	s31 =	sadd.s32 $0x1, s31  }
0x39: {  	p1 =	sne.s32 s31, $0x43  }
.Ltmp4:
0x3a: {  	_ = 	snop;
	(pc) =	sbr.rel @!p1 .LBB2_12-.Ltmp4, $2  }
0x3b: {  	_ =	sdelay $0x2  }
0x3c: {  	s30 =	sadd.s32 $0x2000, s30;
	s29 =	sadd.s32 $0x100, s29  }
.LBB2_2:
0x3d: {  	s0 =	smul.u32 $0xAB, s31;
	_ =	sdelay $0x1  }
0x3e: {  	s0 =	sshrl.u32 s0, $0x9  }
0x3f: {  	s0 =	sand.u32 $0x7F, s0  }
0x40: {  	s0 =	smul.u32 $0x3, s0;
	_ =	sdelay $0x1  }
0x41: {  	p1 =	seq.s32 s31, $0x42;
	s0 =	ssub.s32 s31, s0  }
0x42: {  	s9 =	sand.u32 @!p1 $0xFF, s0  }
0x43: {  	p2 =	sne.s32 @!p1 s9, $0x0  }
0x44: {  	p1 =	por p1, p2  }
.Ltmp5:
0x45: {  	_ = 	snop;
	(pc) =	sbr.rel @p1 .LBB2_5-.Ltmp5, $1  }
0x46: {  	_ =	sdelay $0x3  }
0x47: {  	p1 =	slt.u32 s31, $0x3  }
0x48: {  	s0 =	simm.s32 @!p1 $0x2  }
0x49: {  	s19 =	sand.u32 $0x2000, s30;
	_ =	swait.ge @!p1 [sflag:s0], $0x8000  }
0x4a: {  	s9 =	sshll.u32 s31, $0x8;
	s10 =	sshll.u32 s31, $0x6;
	[sflag:s0] =	ssyncset.done @!p1 $0x0  }
0x4b: {  	s9 =	sand.u32 $0x7000, s9;
	[sflag:s0] =	ssyncadd.s32 @!p1 $0xFFFF8000;
	s0 =	sshrl.u32 s19, $0x2  }
0x4c: {  	s10 =	sand.u32 $0x380, s10;
	s0 =	sor.u32 s0, s9  }
0x4d: {  	s0 =	sor.u32 s10, s0  }
0x4e: {  	v0 =	vld [tilespmem:s0+$0x0];
	_ =	sdelay $0x4  }
0x4f: {  	v0 =	vmul.u32 $0x21, v0  }
0x50: {  	s19 =	sshrl.u32 s31, $0x1  }
0x51: {  	v0 =	vadd.s32 s19, v0  }
0x52: {  	[tilespmem:$0x5000] =	vst v0  }
0x53: {  	v0 =	vld [tilespmem:s0+$0x10];
	_ =	sdelay $0x4  }
0x54: {  	v0 =	vmul.u32 $0x21, v0;
	_ =	sdelay $0x1  }
0x55: {  	v0 =	vadd.s32 s19, v0  }
0x56: {  	[tilespmem:$0x5010] =	vst v0  }
0x57: {  	v0 =	vld [tilespmem:s0+$0x20];
	_ =	sdelay $0x4  }
0x58: {  	v0 =	vmul.u32 $0x21, v0;
	_ =	sdelay $0x1  }
0x59: {  	v0 =	vadd.s32 s19, v0  }
0x5a: {  	[tilespmem:$0x5020] =	vst v0  }
0x5b: {  	v0 =	vld [tilespmem:s0+$0x30];
	_ =	sdelay $0x4  }
0x5c: {  	v0 =	vmul.u32 $0x21, v0;
	_ =	sdelay $0x1  }
0x5d: {  	v0 =	vadd.s32 s19, v0  }
0x5e: {  	[tilespmem:$0x5030] =	vst v0  }
0x5f: {  	v0 =	vld [tilespmem:s0+$0x40];
	_ =	sdelay $0x4  }
0x60: {  	v0 =	vmul.u32 $0x21, v0;
	_ =	sdelay $0x1  }
0x61: {  	v0 =	vadd.s32 s19, v0  }
0x62: {  	[tilespmem:$0x5040] =	vst v0  }
0x63: {  	v0 =	vld [tilespmem:s0+$0x50];
	_ =	sdelay $0x4  }
0x64: {  	v0 =	vmul.u32 $0x21, v0;
	_ =	sdelay $0x1  }
0x65: {  	v0 =	vadd.s32 s19, v0  }
0x66: {  	[tilespmem:$0x5050] =	vst v0  }
0x67: {  	v0 =	vld [tilespmem:s0+$0x60];
	_ =	sdelay $0x4  }
0x68: {  	v0 =	vmul.u32 $0x21, v0;
	_ =	sdelay $0x1  }
0x69: {  	v0 =	vadd.s32 s19, v0  }
0x6a: {  	[tilespmem:$0x5060] =	vst v0  }
0x6b: {  	v0 =	vld [tilespmem:s0+$0x70];
	_ =	sdelay $0x4  }
0x6c: {  	v0 =	vmul.u32 $0x21, v0;
	_ =	sdelay $0x1  }
0x6d: {  	v0 =	vadd.s32 s19, v0  }
0x6e: {  	[tilespmem:$0x5070] =	vst v0  }
0x6f: {  	v0 =	vld [tilespmem:s0+$0x400];
	_ =	sdelay $0x4  }
0x70: {  	v0 =	vmul.u32 $0x21, v0;
	_ =	sdelay $0x1  }
0x71: {  	v0 =	vadd.s32 s19, v0  }
0x72: {  	[tilespmem:$0x5080] =	vst v0  }
0x73: {  	v0 =	vld [tilespmem:s0+$0x410];
	_ =	sdelay $0x4  }
0x74: {  	v0 =	vmul.u32 $0x21, v0;
	_ =	sdelay $0x1  }
0x75: {  	v0 =	vadd.s32 s19, v0  }
0x76: {  	[tilespmem:$0x5090] =	vst v0  }
0x77: {  	v0 =	vld [tilespmem:s0+$0x420];
	_ =	sdelay $0x4  }
0x78: {  	v0 =	vmul.u32 $0x21, v0;
	_ =	sdelay $0x1  }
0x79: {  	v0 =	vadd.s32 s19, v0  }
0x7a: {  	[tilespmem:$0x50A0] =	vst v0  }
0x7b: {  	v0 =	vld [tilespmem:s0+$0x430];
	_ =	sdelay $0x4  }
0x7c: {  	v0 =	vmul.u32 $0x21, v0;
	_ =	sdelay $0x1  }
0x7d: {  	v0 =	vadd.s32 s19, v0  }
0x7e: {  	[tilespmem:$0x50B0] =	vst v0  }
0x7f: {  	v0 =	vld [tilespmem:s0+$0x440];
	_ =	sdelay $0x4  }
0x80: {  	v0 =	vmul.u32 $0x21, v0;
	_ =	sdelay $0x1  }
0x81: {  	v0 =	vadd.s32 s19, v0  }
0x82: {  	[tilespmem:$0x50C0] =	vst v0  }
0x83: {  	v0 =	vld [tilespmem:s0+$0x450];
	_ =	sdelay $0x4  }
0x84: {  	v0 =	vmul.u32 $0x21, v0;
	_ =	sdelay $0x1  }
0x85: {  	v0 =	vadd.s32 s19, v0  }
0x86: {  	[tilespmem:$0x50D0] =	vst v0  }
0x87: {  	v0 =	vld [tilespmem:s0+$0x460];
	_ =	sdelay $0x4  }
0x88: {  	v0 =	vmul.u32 $0x21, v0;
	_ =	sdelay $0x1  }
0x89: {  	v0 =	vadd.s32 s19, v0  }
0x8a: {  	[tilespmem:$0x50E0] =	vst v0  }
0x8b: {  	v0 =	vld [tilespmem:s0+$0x470];
	_ =	sdelay $0x4  }
0x8c: {  	v0 =	vmul.u32 $0x21, v0  }
0x8d: {  	p1 =	seq.s32 s31, $0x0  }
.Ltmp6:
0x8e: {  	v0 =	vadd.s32 s19, v0;
	(pc) =	sbr.rel @!p1 .LBB2_4-.Ltmp6, $4  }
.Ltmp7:
0x8f: {  	[tilespmem:$0x50F0] =	vst v0;
	(pc) =	sbr.rel @p1 .LBB2_11-.Ltmp7, $4  }
0x90: {  	[tilespmem:s14], [sflag:$0x1] =	stream.indirect.gather [spmem:s2], $0x80, s13, s12, $0xb8;
	[tilespmem:$0x1EED8] =	vst v63  }
0x91: {  	_ = 	snop  }
0x92: {  	[tilespmem:s16], [sflag:$0x1] =	stream.indirect.gather [spmem:s2], $0x80, s15, s12, $0xb8;
	[tilespmem:$0x1EED8] =	vst v63  }
0x93: {  	_ = 	snop  }
.LBB2_6:
0x94: {  	s0 =	sand.u32 $0xFF, s0  }
0x95: {  	p1 =	seq.s32 s0, $0x2  }
.Ltmp8:
0x96: {  	_ = 	snop;
	(pc) =	sbr.rel @p1 .LBB2_9-.Ltmp8, $1  }
0x97: {  	_ =	sdelay $0x3  }
0x98: {  	p1 =	sne.s32 s0, $0x1  }
.Ltmp9:
0x99: {  	_ = 	snop;
	(pc) =	sbr.rel @p1 .LBB2_11-.Ltmp9, $1  }
0x9a: {  	_ =	sdelay $0x3  }
0x9b: {  	p1 =	slt.u32 s31, $0x3;
	s9 =	sand.u32 $0x2000, s30  }
0x9c: {  	s10 =	sshll.u32 s31, $0x8;
	s19 =	sshll.u32 s31, $0x6;
	s0 =	simm.s32 @!p1 $0x2  }
0x9d: {  	s10 =	sand.u32 $0x7000, s10;
	s9 =	sshrl.u32 s9, $0x2;
	_ =	swait.ge @!p1 [sflag:s0], $0x8000  }
0x9e: {  	s19 =	sand.u32 $0x380, s19;
	s9 =	sor.u32 s9, s10;
	[sflag:s0] =	ssyncset.done @!p1 $0x0  }
0x9f: {  	s9 =	sor.u32 s19, s9;
	[sflag:s0] =	ssyncadd.s32 @!p1 $0xFFFF8000  }
0xa0: {  	v0 =	vld [tilespmem:s9+$0x0];
	_ =	sdelay $0x4  }
0xa1: {  	v0 =	vmul.u32 $0x21, v0  }
0xa2: {  	s10 =	sshrl.u32 s31, $0x1  }
0xa3: {  	v0 =	vadd.s32 s10, v0  }
0xa4: {  	[tilespmem:$0x5100] =	vst v0  }
0xa5: {  	v0 =	vld [tilespmem:s9+$0x10];
	_ =	sdelay $0x4  }
0xa6: {  	v0 =	vmul.u32 $0x21, v0;
	_ =	sdelay $0x1  }
0xa7: {  	v0 =	vadd.s32 s10, v0  }
0xa8: {  	[tilespmem:$0x5110] =	vst v0  }
0xa9: {  	v0 =	vld [tilespmem:s9+$0x20];
	_ =	sdelay $0x4  }
0xaa: {  	v0 =	vmul.u32 $0x21, v0;
	_ =	sdelay $0x1  }
0xab: {  	v0 =	vadd.s32 s10, v0  }
0xac: {  	[tilespmem:$0x5120] =	vst v0  }
0xad: {  	v0 =	vld [tilespmem:s9+$0x30];
	_ =	sdelay $0x4  }
0xae: {  	v0 =	vmul.u32 $0x21, v0;
	_ =	sdelay $0x1  }
0xaf: {  	v0 =	vadd.s32 s10, v0  }
0xb0: {  	[tilespmem:$0x5130] =	vst v0  }
0xb1: {  	v0 =	vld [tilespmem:s9+$0x40];
	_ =	sdelay $0x4  }
0xb2: {  	v0 =	vmul.u32 $0x21, v0;
	_ =	sdelay $0x1  }
0xb3: {  	v0 =	vadd.s32 s10, v0  }
0xb4: {  	[tilespmem:$0x5140] =	vst v0  }
0xb5: {  	v0 =	vld [tilespmem:s9+$0x50];
	_ =	sdelay $0x4  }
0xb6: {  	v0 =	vmul.u32 $0x21, v0;
	_ =	sdelay $0x1  }
0xb7: {  	v0 =	vadd.s32 s10, v0  }
0xb8: {  	[tilespmem:$0x5150] =	vst v0  }
0xb9: {  	v0 =	vld [tilespmem:s9+$0x60];
	_ =	sdelay $0x4  }
0xba: {  	v0 =	vmul.u32 $0x21, v0;
	_ =	sdelay $0x1  }
0xbb: {  	v0 =	vadd.s32 s10, v0  }
0xbc: {  	[tilespmem:$0x5160] =	vst v0  }
0xbd: {  	v0 =	vld [tilespmem:s9+$0x70];
	_ =	sdelay $0x4  }
0xbe: {  	v0 =	vmul.u32 $0x21, v0;
	_ =	sdelay $0x1  }
0xbf: {  	v0 =	vadd.s32 s10, v0  }
0xc0: {  	[tilespmem:$0x5170] =	vst v0  }
0xc1: {  	v0 =	vld [tilespmem:s9+$0x400];
	_ =	sdelay $0x4  }
0xc2: {  	v0 =	vmul.u32 $0x21, v0;
	_ =	sdelay $0x1  }
0xc3: {  	v0 =	vadd.s32 s10, v0  }
0xc4: {  	[tilespmem:$0x5180] =	vst v0  }
0xc5: {  	v0 =	vld [tilespmem:s9+$0x410];
	_ =	sdelay $0x4  }
0xc6: {  	v0 =	vmul.u32 $0x21, v0;
	_ =	sdelay $0x1  }
0xc7: {  	v0 =	vadd.s32 s10, v0  }
0xc8: {  	[tilespmem:$0x5190] =	vst v0  }
0xc9: {  	v0 =	vld [tilespmem:s9+$0x420];
	_ =	sdelay $0x4  }
0xca: {  	v0 =	vmul.u32 $0x21, v0;
	_ =	sdelay $0x1  }
0xcb: {  	v0 =	vadd.s32 s10, v0  }
0xcc: {  	[tilespmem:$0x51A0] =	vst v0  }
0xcd: {  	v0 =	vld [tilespmem:s9+$0x430];
	_ =	sdelay $0x4  }
0xce: {  	v0 =	vmul.u32 $0x21, v0;
	_ =	sdelay $0x1  }
0xcf: {  	v0 =	vadd.s32 s10, v0  }
0xd0: {  	[tilespmem:$0x51B0] =	vst v0  }
0xd1: {  	v0 =	vld [tilespmem:s9+$0x440];
	_ =	sdelay $0x4  }
0xd2: {  	v0 =	vmul.u32 $0x21, v0;
	_ =	sdelay $0x1  }
0xd3: {  	v0 =	vadd.s32 s10, v0  }
0xd4: {  	[tilespmem:$0x51C0] =	vst v0  }
0xd5: {  	v0 =	vld [tilespmem:s9+$0x450];
	_ =	sdelay $0x4  }
0xd6: {  	v0 =	vmul.u32 $0x21, v0;
	_ =	sdelay $0x1  }
0xd7: {  	v0 =	vadd.s32 s10, v0  }
0xd8: {  	[tilespmem:$0x51D0] =	vst v0  }
0xd9: {  	v0 =	vld [tilespmem:s9+$0x460];
	_ =	sdelay $0x4  }
0xda: {  	v0 =	vmul.u32 $0x21, v0;
	_ =	sdelay $0x1  }
0xdb: {  	v0 =	vadd.s32 s10, v0  }
0xdc: {  	[tilespmem:$0x51E0] =	vst v0  }
0xdd: {  	v0 =	vld [tilespmem:s9+$0x470];
	_ =	sdelay $0x4  }
0xde: {  	v0 =	vmul.u32 $0x21, v0  }
0xdf: {  	s19 =	sadd.s32 $0xFFFFFFFF, s31  }
0xe0: {  	v0 =	vadd.s32 s10, v0;
	s10 =	sand.u32 $0x1, s19  }
0xe1: {  	p6 =	slt.u32 s31, $0x2;
	[tilespmem:$0x51F0] =	vst v0;
	p2 =	seq.s32 s10, $0x1  }
0xe2: {  	[tilespmem:s24], [sflag:$0x1] =	stream.indirect.gather [spmem:s2], $0x80, s23, s12, $0xb8;
	[tilespmem:$0x1EED8] =	vst v63  }
0xe3: {  	p1 =	por !p6, !p2  }
0xe4: {  	[tilespmem:s26], [sflag:$0x1] =	stream.indirect.gather [spmem:s2], $0x80, s25, s12, $0xb8;
	[tilespmem:$0x1EED8] =	vst v63  }
.Ltmp10:
0xe5: {  	s9 =	simm.s32 $0x1;
	p1 =	por !p1, !p1;
	(pc) =	sbr.rel .LBB2_10-.Ltmp10, $4  }
0xe6: {  	s0 =	sshrl.u32 s19, $0x1;
	s9 =	simm.s32 @!p1 $0x0  }
0xe7: {  	_ =	swait.ge [sflag:s18], $0x8000;
	s0 =	ssub.s32 s0, s9  }
0xe8: {  	s19 =	sand.u32 $0x100, s29;
	[sflag:s18] =	ssyncset.done $0x0;
	s0 =	sshll.u32 s0, $0xE  }
0xe9: {  	s9 =	simm.s32 $0x5300;
	[sflag:s18] =	ssyncadd.s32 $0xFFFF8000;
	s0 =	sor.u32 s19, s0  }
.LBB2_9:
0xea: {  	p1 =	slt.u32 s31, $0x3;
	s9 =	sand.u32 $0x2000, s30  }
0xeb: {  	s10 =	sshll.u32 s31, $0x8;
	s19 =	sshll.u32 s31, $0x6;
	s0 =	simm.s32 @!p1 $0x2  }
0xec: {  	s10 =	sand.u32 $0x7000, s10;
	s9 =	sshrl.u32 s9, $0x2;
	_ =	swait.ge @!p1 [sflag:s0], $0x8000  }
0xed: {  	s19 =	sand.u32 $0x380, s19;
	s9 =	sor.u32 s9, s10;
	[sflag:s0] =	ssyncset.done @!p1 $0x0  }
0xee: {  	s10 =	sor.u32 s19, s9;
	[sflag:s0] =	ssyncadd.s32 @!p1 $0xFFFF8000  }
0xef: {  	v0 =	vld [tilespmem:s10+$0x0];
	_ =	sdelay $0x4  }
0xf0: {  	v0 =	vmul.u32 $0x21, v0  }
0xf1: {  	s19 =	sshrl.u32 s31, $0x1  }
0xf2: {  	v0 =	vadd.s32 s19, v0  }
0xf3: {  	[tilespmem:$0x5200] =	vst v0  }
0xf4: {  	v0 =	vld [tilespmem:s10+$0x10];
	_ =	sdelay $0x4  }
0xf5: {  	v0 =	vmul.u32 $0x21, v0;
	_ =	sdelay $0x1  }
0xf6: {  	v0 =	vadd.s32 s19, v0  }
0xf7: {  	[tilespmem:$0x5210] =	vst v0  }
0xf8: {  	v0 =	vld [tilespmem:s10+$0x20];
	_ =	sdelay $0x4  }
0xf9: {  	v0 =	vmul.u32 $0x21, v0;
	_ =	sdelay $0x1  }
0xfa: {  	v0 =	vadd.s32 s19, v0  }
0xfb: {  	[tilespmem:$0x5220] =	vst v0  }
0xfc: {  	v0 =	vld [tilespmem:s10+$0x30];
	_ =	sdelay $0x4  }
0xfd: {  	v0 =	vmul.u32 $0x21, v0;
	_ =	sdelay $0x1  }
0xfe: {  	v0 =	vadd.s32 s19, v0  }
0xff: {  	[tilespmem:$0x5230] =	vst v0  }
0x100: {  	v0 =	vld [tilespmem:s10+$0x40];
	_ =	sdelay $0x4  }
0x101: {  	v0 =	vmul.u32 $0x21, v0;
	_ =	sdelay $0x1  }
0x102: {  	v0 =	vadd.s32 s19, v0  }
0x103: {  	[tilespmem:$0x5240] =	vst v0  }
0x104: {  	v0 =	vld [tilespmem:s10+$0x50];
	_ =	sdelay $0x4  }
0x105: {  	v0 =	vmul.u32 $0x21, v0;
	_ =	sdelay $0x1  }
0x106: {  	v0 =	vadd.s32 s19, v0  }
0x107: {  	[tilespmem:$0x5250] =	vst v0  }
0x108: {  	v0 =	vld [tilespmem:s10+$0x60];
	_ =	sdelay $0x4  }
0x109: {  	v0 =	vmul.u32 $0x21, v0;
	_ =	sdelay $0x1  }
0x10a: {  	v0 =	vadd.s32 s19, v0  }
0x10b: {  	[tilespmem:$0x5260] =	vst v0  }
0x10c: {  	v0 =	vld [tilespmem:s10+$0x70];
	_ =	sdelay $0x4  }
0x10d: {  	v0 =	vmul.u32 $0x21, v0;
	_ =	sdelay $0x1  }
0x10e: {  	v0 =	vadd.s32 s19, v0  }
0x10f: {  	[tilespmem:$0x5270] =	vst v0  }
0x110: {  	v0 =	vld [tilespmem:s10+$0x400];
	_ =	sdelay $0x4  }
0x111: {  	v0 =	vmul.u32 $0x21, v0;
	_ =	sdelay $0x1  }
0x112: {  	v0 =	vadd.s32 s19, v0  }
0x113: {  	[tilespmem:$0x5280] =	vst v0  }
0x114: {  	v0 =	vld [tilespmem:s10+$0x410];
	_ =	sdelay $0x4  }
0x115: {  	v0 =	vmul.u32 $0x21, v0;
	_ =	sdelay $0x1  }
0x116: {  	v0 =	vadd.s32 s19, v0  }
0x117: {  	[tilespmem:$0x5290] =	vst v0  }
0x118: {  	v0 =	vld [tilespmem:s10+$0x420];
	_ =	sdelay $0x4  }
0x119: {  	v0 =	vmul.u32 $0x21, v0;
	_ =	sdelay $0x1  }
0x11a: {  	v0 =	vadd.s32 s19, v0  }
0x11b: {  	[tilespmem:$0x52A0] =	vst v0  }
0x11c: {  	v0 =	vld [tilespmem:s10+$0x430];
	_ =	sdelay $0x4  }
0x11d: {  	v0 =	vmul.u32 $0x21, v0;
	_ =	sdelay $0x1  }
0x11e: {  	v0 =	vadd.s32 s19, v0  }
0x11f: {  	[tilespmem:$0x52B0] =	vst v0  }
0x120: {  	v0 =	vld [tilespmem:s10+$0x440];
	_ =	sdelay $0x4  }
0x121: {  	v0 =	vmul.u32 $0x21, v0;
	_ =	sdelay $0x1  }
0x122: {  	v0 =	vadd.s32 s19, v0  }
0x123: {  	[tilespmem:$0x52C0] =	vst v0  }
0x124: {  	v0 =	vld [tilespmem:s10+$0x450];
	_ =	sdelay $0x4  }
0x125: {  	v0 =	vmul.u32 $0x21, v0;
	_ =	sdelay $0x1  }
0x126: {  	v0 =	vadd.s32 s19, v0  }
0x127: {  	[tilespmem:$0x52D0] =	vst v0  }
0x128: {  	v0 =	vld [tilespmem:s10+$0x460];
	_ =	sdelay $0x4  }
0x129: {  	v0 =	vmul.u32 $0x21, v0;
	_ =	sdelay $0x1  }
0x12a: {  	v0 =	vadd.s32 s19, v0  }
0x12b: {  	[tilespmem:$0x52E0] =	vst v0  }
0x12c: {  	v0 =	vld [tilespmem:s10+$0x470];
	_ =	sdelay $0x4  }
0x12d: {  	v0 =	vmul.u32 $0x21, v0;
	_ =	sdelay $0x1  }
0x12e: {  	v0 =	vadd.s32 s19, v0  }
0x12f: {  	s9 =	simm.s32 $0x5200;
	[tilespmem:$0x52F0] =	vst v0  }
0x130: {  	[tilespmem:s20], [sflag:$0x1] =	stream.indirect.gather [spmem:s2], $0x80, s9, s12, $0xb8;
	[tilespmem:$0x1EED8] =	vst v63  }
.Ltmp11:
0x131: {  	_ = 	snop;
	(pc) =	sbr.rel .LBB2_10-.Ltmp11, $4  }
0x132: {  	[tilespmem:s22], [sflag:$0x1] =	stream.indirect.gather [spmem:s2], $0x80, s21, s12, $0xb8;
	[tilespmem:$0x1EED8] =	vst v63  }
0x133: {  	s10 =	sadd.s32 $0xFFFFE000, s30;
	_ =	swait.ge [sflag:s18], $0x8000  }
0x134: {  	s0 =	sand.u32 $0x7FFFC000, s10;
	s19 =	sand.u32 $0x100, s29;
	[sflag:s18] =	ssyncset.done $0x0  }
0x135: {  	s0 =	sor.u32 s19, s0;
	s9 =	simm.s32 $0xD300;
	[sflag:s18] =	ssyncadd.s32 $0xFFFF8000  }
.LBB2_13:
0x136: {  	_ =	sfence.sel $0x180000  }
0x137: {  	[bflag:$0x0] =	sbarrier.arrive $0xFFFF  }
0x138: {  	_ =	strace $0x90000047  }
0x139: {  	[bflag:$0x2] =	sbarrier.arrive $0xFFFF  }
0x13a: {  	s0 =	rddreg [dreg:$0x4]  }
0x13b: {  	s0 =	sadd.s32 @!p0 $0x100000, s0  }
0x13c: {  	[sflag:s0] =	ssyncadd.tile.s32 @!p0 $0x1;
	_ =	shalt  }
.Lfunc_end2:
_tile_overlayer_lowered:
.L_overlay_start_2:
0x13d: {  	(tag) =	ssettag $0x2  }
0x13e: {  	s0 =	rddreg [dreg:$0x0];
	s2 =	stileid.u32  }
0x13f: {  	s1 =	rddreg [dreg:$0x1];
	p0 =	sne.s32 s2, $0x0  }
0x140: {  	s3 =	rddreg [dreg:$0x2];
	[bflag:$0x3] =	sbarrier.arrive $0xFFFF;
	s2 =	simm.s32 @!p0 $0x1C03  }
0x141: {  	[timem:s3], [sflag:s2] =	dma.local @!p0 [hbm:s0], s1  }
0x142: {  	s0 =	simm.s32 @!p0 $0x3  }
0x143: {  	_ =	swait.ge @!p0 [sflag:s0], s1  }
0x144: {  	s1 =	ssub.s32 @!p0 $0x0, s1;
	[sflag:s0] =	ssyncset.done @!p0 $0x0  }
0x145: {  	[sflag:s0] =	ssyncadd.s32 @!p0 s1  }
0x146: {  	[bflag:$0x3] =	sbarrier.arrive $0xFFFF  }
0x147: {  	_ =	shalt  }

</sc_bundles>
